<compile_context>
chip_gen: v7x
topology: tpu7x:2x2x1
jax: 0.10.2.dev20260603
libtpu: 0.0.44.dev20260713+nightly
codegen_flags: <defaults>
</compile_context>

<pallas_src>
import functools

import jax
import jax.numpy as jnp
from jax import lax
from jax.experimental import pallas as pl
from jax.experimental.pallas import tpu as pltpu
from jax.experimental.pallas import tpu_sc as plsc

NC, NS = 2, 16
NW = NC * NS
LP = 64
NQ = 4
LANES = 16


@functools.lru_cache(maxsize=None)
def _sc_call(B, L, V):
    NB = NW // NQ
    BW = B // NB
    VQ = V // NQ
    VC = 256
    NCH = -(-VQ // VC)
    VCR = VQ - (NCH - 1) * VC
    CW = VC * BW
    ROWS = BW * LP
    NGRP = ROWS // LANES
    SVCAP = BW * L + LANES
    assert (NCH - 2) % 3 == 0 and VC % 8 == 0 and VCR % 8 == 0
    mesh = plsc.VectorSubcoreMesh(core_axis_name="c", subcore_axis_name="s")

    @functools.partial(
        pl.kernel,
        out_type=jax.ShapeDtypeStruct((V, B), jnp.float32),
        mesh=mesh,
        compiler_params=pltpu.CompilerParams(needs_layout_passes=False),
        scratch_types=[
            pltpu.VMEM((VC, BW), jnp.float32),
            pltpu.VMEM((VC, BW), jnp.float32),
            pltpu.VMEM((VC, BW), jnp.float32),
            pltpu.VMEM((ROWS,), jnp.int32),
            pltpu.VMEM((ROWS,), jnp.float32),
            pltpu.VMEM((SVCAP,), jnp.int32),
            pltpu.VMEM((SVCAP,), jnp.float32),
            pltpu.VMEM((LP,), jnp.float32),
            pltpu.VMEM((128,), jnp.int32),
            pltpu.VMEM((128,), jnp.int32),
            pltpu.SemaphoreType.DMA,
            pltpu.SemaphoreType.DMA,
            pltpu.SemaphoreType.DMA,
            pltpu.SemaphoreType.DMA,
            pltpu.SemaphoreType.DMA,
            pltpu.SemaphoreType.DMA,
        ],
    )
    def k(lg_hbm, idx_hbm, maskf_hbm, w_hbm, out_hbm,
          buf0, buf1, buf2, slab_i, slab_f, sv_off, sv_val, wv,
          counts, cursors, isem0, isem1, isem2, osem0, osem1, osem2):
        sid = lax.axis_index("s")
        wid = sid * NC + lax.axis_index("c")
        tb = lax.rem(wid, NB)
        q = lax.div(wid, NB)
        v0 = q * VQ
        col0 = pl.multiple_of(tb * BW, BW)
        lane = lax.iota(jnp.int32, LANES)
        lane0 = lane == 0
        ones = jnp.ones((LANES,), jnp.int32)

        def win_in(c, n=VC):
            vb = pl.multiple_of(v0 + c * VC, 8)
            return lg_hbm.at[pl.ds(vb, n), pl.ds(col0, BW)]

        def win_out(c, n=VC):
            vb = pl.multiple_of(v0 + c * VC, 8)
            return out_hbm.at[pl.ds(vb, n), pl.ds(col0, BW)]

        pltpu.async_copy(win_in(0), buf0, isem0)
        pltpu.async_copy(win_in(1), buf1, isem1)
        pltpu.async_copy(win_in(2), buf2, isem2)
        pltpu.sync_copy(idx_hbm.at[pl.ds(tb * ROWS, ROWS)], slab_i)
        pltpu.sync_copy(maskf_hbm.at[pl.ds(tb * ROWS, ROWS)], slab_f)
        pltpu.sync_copy(w_hbm, wv)

        def p1(g, nsv):
            sl = pl.ds(g * LANES, LANES)
            vg = slab_i[sl]
            valg = slab_f[sl] * wv[pl.ds(lax.rem(g, LP // LANES) * LANES,
                                         LANES)]
            b_local = lax.div(g, LP // LANES)
            m = (vg >= v0) & (vg < v0 + VQ)
            foff = (vg - v0) * BW + b_local
            pos = nsv + jnp.cumsum(m.astype(jnp.int32)) - 1
            plsc.store_scatter(sv_off, [pos], foff, mask=m)
            plsc.store_scatter(sv_val, [pos], valg, mask=m)
            return nsv + jnp.max(plsc.all_reduce_population_count(m))
        nsv = lax.fori_loop(0, NGRP, p1, jnp.int32(0))
        ngrp_sv = lax.div(nsv + LANES - 1, LANES)

        for i in range(128 // LANES):
            counts[pl.ds(i * LANES, LANES)] = jnp.zeros((LANES,), jnp.int32)

        def p2(g, _):
            sl = pl.ds(g * LANES, LANES)
            cid = lax.div(sv_off[sl], CW)
            valid = lane < (nsv - g * LANES)
            for l in range(LANES):
                plsc.addupdate_scatter(counts, [cid], ones,
                                       mask=valid & (lane == l))
            return 0
        lax.fori_loop(0, ngrp_sv, p2, 0)

        def p3(i, carry):
            sl = pl.ds(i * LANES, LANES)
            cg = counts[sl]
            cursors[sl] = jnp.cumsum(cg) - cg + carry
            return carry + jnp.sum(cg)
        lax.fori_loop(0, 128 // LANES, p3, jnp.int32(0))

        def p4(g, _):
            sl = pl.ds(g * LANES, LANES)
            off = sv_off[sl]
            val = sv_val[sl]
            cid = lax.div(off, CW)
            local = off - cid * CW
            valid = lane < (nsv - g * LANES)
            for l in range(LANES):
                ml = valid & (lane == l)
                posv = plsc.load_gather(cursors, [cid], mask=ml)
                plsc.store_scatter(slab_i, [posv], local, mask=ml)
                plsc.store_scatter(slab_f, [posv], val, mask=ml)
                plsc.addupdate_scatter(cursors, [cid], ones, mask=ml)
            return 0
        lax.fori_loop(0, ngrp_sv, p4, 0)

        def chunk(c, pos, buf, nbuf, isem, osem, nisem, nosem,
                  issue_next=True, n=VC):
            bufn = buf.at[pl.ds(0, n)]
            pltpu.make_async_copy(win_in(c, n), bufn, isem).wait()
            n_c = jnp.max(plsc.load_gather(
                counts, [jnp.full((LANES,), lax.rem(c, 128), jnp.int32)]))

            def upd(j, _):
                at = jnp.full((LANES,), pos + j, jnp.int32)
                off = plsc.load_gather(slab_i, [at])
                val = plsc.load_gather(slab_f, [at])
                row = lax.div(off, BW)
                col = off - row * BW
                plsc.addupdate_scatter(buf, [row, col], val, mask=lane0)
                return 0
            lax.fori_loop(0, n_c, upd, 0)

            pltpu.async_copy(bufn, win_out(c, n), osem)

            @pl.when(c >= 2)
            def _():
                pltpu.make_async_copy(nbuf, win_out(c - 2), nosem).wait()

            if issue_next:
                @pl.when((c >= 2) & (c + 1 < NCH - 1))
                def _():
                    pltpu.async_copy(win_in(c + 1), nbuf, nisem)
            return pos + n_c

        def triplet(i, pos):
            c = i * 3
            pos = chunk(c, pos, buf0, buf1, isem0, osem0, isem1, osem1)
            pos = chunk(c + 1, pos, buf1, buf2, isem1, osem1, isem2, osem2)
            pos = chunk(c + 2, pos, buf2, buf0, isem2, osem2, isem0, osem0)
            return pos
        pos = lax.fori_loop(0, (NCH - 2) // 3, triplet, jnp.int32(0))

        c = NCH - 2
        pos = chunk(c, pos, buf0, buf1, isem0, osem0, isem1, osem1,
                    issue_next=False)
        pltpu.async_copy(win_in(NCH - 1, VCR), buf1.at[pl.ds(0, VCR)], isem1)
        pos = chunk(NCH - 1, pos, buf1, buf2, isem1, osem1, isem2, osem2,
                    issue_next=False, n=VCR)
        pltpu.make_async_copy(buf0, win_out(NCH - 2), osem0).wait()
        pltpu.make_async_copy(buf1.at[pl.ds(0, VCR)], win_out(NCH - 1, VCR),
                              osem1).wait()

    return k


def kernel(logits, loc_seq, mask, decay, boost_scale):
    B, L = loc_seq.shape
    V = logits.shape[1]
    exps = (L - 1 - jnp.arange(L)).astype(jnp.float32)
    weights = (decay.astype(jnp.float32) ** exps) * boost_scale
    w64 = jnp.zeros((LP,), jnp.float32).at[:L].set(weights)
    idx64 = jnp.full((B, LP), -1, jnp.int32).at[:, :L].set(loc_seq)
    m64 = jnp.zeros((B, LP), jnp.float32).at[:, :L].set(
        mask.astype(jnp.float32))
    out_t = _sc_call(B, L, V)(logits.T, idx64.reshape(-1),
                              m64.reshape(-1), w64)
    return out_t.T

# --- scband reference (transcript-rebuilt; emitter-appended) ---
"""Pipeline reference for scband-history-attention-module-47863115547151 (READ-ONLY COPY).

The authoritative reference and input builder live on the scoring server;
editing this copy changes nothing except your own understanding.
"""

import jax, jax.numpy as jnp
import numpy as np

B, L, V = 1024, 50, 100000


def setup_inputs(seed: int = 0) -> dict:
    key = jax.random.key(seed)
    k1, k2 = jax.random.split(key)
    logits = jax.random.normal(k1, (B, V), dtype=jnp.float32)
    loc_seq = jax.random.randint(k2, (B, L), 0, V, dtype=jnp.int32)
    mask = jnp.ones((B, L), dtype=bool)
    decay = jnp.asarray(0.9, dtype=jnp.float32)
    boost_scale = jnp.asarray(2.0, dtype=jnp.float32)
    return {"logits": logits, "loc_seq": loc_seq, "mask": mask, "decay": decay, "boost_scale": boost_scale}


def reference(logits, loc_seq, mask, decay, boost_scale):
    Bsz, Lseq = loc_seq.shape
    # recency weights: decay ** (L - 1 - t) for t in [0, L)
    exponents = (Lseq - 1 - jnp.arange(Lseq)).astype(jnp.float32)  # (L,)
    weights = decay ** exponents  # (L,)
    vals = weights[None, :] * mask.astype(jnp.float32) * boost_scale  # (B, L)
    rows = jnp.broadcast_to(jnp.arange(Bsz)[:, None], (Bsz, Lseq))  # (B, L)
    history_scores = jnp.zeros_like(logits).at[rows, loc_seq].add(vals)
    return logits + history_scores

if __name__ == "__main__":
    import jax
    _d = setup_inputs()
    print(jax.jit(kernel)(*tuple(_d.values())))

</pallas_src>

<mosaic_0001>
#map = affine_map<(d0, d1) -> (0, 0)>
#map1 = affine_map<(d0, d1) -> (0)>
module attributes {stable_mosaic.version = 14 : i64} {
  func.func @k(%arg0: i32, %arg1: i32, %arg2: memref<100000x1024xf32, #tpu.memory_space<hbm>>, %arg3: memref<65536xi32, #tpu.memory_space<hbm>>, %arg4: memref<65536xf32, #tpu.memory_space<hbm>>, %arg5: memref<64xf32, #tpu.memory_space<hbm>>, %arg6: memref<100000x1024xf32, #tpu.memory_space<hbm>>, %arg7: memref<256x128xf32, #tpu.memory_space<vmem>>, %arg8: memref<256x128xf32, #tpu.memory_space<vmem>>, %arg9: memref<256x128xf32, #tpu.memory_space<vmem>>, %arg10: memref<8192xi32, #tpu.memory_space<vmem>>, %arg11: memref<8192xf32, #tpu.memory_space<vmem>>, %arg12: memref<6416xi32, #tpu.memory_space<vmem>>, %arg13: memref<6416xf32, #tpu.memory_space<vmem>>, %arg14: memref<64xf32, #tpu.memory_space<vmem>>, %arg15: memref<128xi32, #tpu.memory_space<vmem>>, %arg16: memref<128xi32, #tpu.memory_space<vmem>>, %arg17: memref<!tpu.dma_semaphore, #tpu.memory_space<semaphore_mem>>, %arg18: memref<!tpu.dma_semaphore, #tpu.memory_space<semaphore_mem>>, %arg19: memref<!tpu.dma_semaphore, #tpu.memory_space<semaphore_mem>>, %arg20: memref<!tpu.dma_semaphore, #tpu.memory_space<semaphore_mem>>, %arg21: memref<!tpu.dma_semaphore, #tpu.memory_space<semaphore_mem>>, %arg22: memref<!tpu.dma_semaphore, #tpu.memory_space<semaphore_mem>>) attributes {dimension_semantics = [#tpu.dimension_semantics<core_parallel>, #tpu.dimension_semantics<subcore_parallel>], iteration_bounds = array<i64: 2, 16>, scalar_prefetch = 0 : i64, scratch_operands = 16 : i64, tpu.core_type = #tpu.core_type<sc_vector_subcore>, window_params = [{transform_indices = #map}, {transform_indices = #map1}, {transform_indices = #map1}, {transform_indices = #map1}, {transform_indices = #map}]} {
    %mul3A = arith.constant 2 : i32
    %mul3A_0 = arith.muli %arg1, %mul3A : i32
    %add3A = arith.addi %mul3A_0, %arg0 : i32
    %rem3A = arith.constant 8 : i32
    %rem3A_1 = arith.remsi %add3A, %rem3A : i32
    %div3A = arith.constant 8 : i32
    %div3A_2 = arith.divsi %add3A, %div3A : i32
    %mul3A_3 = arith.constant 25000 : i32
    %mul3A_4 = arith.muli %div3A_2, %mul3A_3 : i32
    %mul3A_5 = arith.constant 128 : i32
    %mul3A_6 = arith.muli %rem3A_1, %mul3A_5 : i32
    %multiple_of3A = tpu.assume_multiple %mul3A_6, 128 : i32
    %iota3A = tpu.iota {dimensions = array<i32: 0>} : vector<16xi32>
    %eq3A = arith.constant 0 : i32
    %eq3A_7 = vector.broadcast %eq3A : i32 to vector<16xi32>
    %eq3A_8 = arith.cmpi eq, %iota3A, %eq3A_7 : vector<16xi32>
    %broadcast_in_dim3A = arith.constant 1 : i32
    %broadcast_in_dim3A_9 = vector.broadcast %broadcast_in_dim3A : i32 to vector<16xi32>
    %add3A_10 = arith.constant 0 : i32
    %add3A_11 = arith.addi %mul3A_4, %add3A_10 : i32
    %multiple_of3A_12 = tpu.assume_multiple %add3A_11, 8 : i32
    %dma_start3A = tpu.memref_slice %arg2[%multiple_of3A_12, %multiple_of3A] : memref<100000x1024xf32, #tpu.memory_space<hbm>> -> memref<256x128xf32, #tpu.memory_space<hbm>>
    %dma_start3A_13 = tpu.memref_slice %arg2[%multiple_of3A_12, %multiple_of3A] : memref<100000x1024xf32, #tpu.memory_space<hbm>> -> memref<256x128xf32, #tpu.memory_space<hbm>>
    tpu.enqueue_dma source(%dma_start3A_13 : memref<256x128xf32, #tpu.memory_space<hbm>>) target(%arg7 : memref<256x128xf32, #tpu.memory_space<vmem>>) target_semaphore(%arg17 : memref<!tpu.dma_semaphore, #tpu.memory_space<semaphore_mem>>)
    %add3A_14 = arith.constant 256 : i32
    %add3A_15 = arith.addi %mul3A_4, %add3A_14 : i32
    %multiple_of3A_16 = tpu.assume_multiple %add3A_15, 8 : i32
    %dma_start3A_17 = tpu.memref_slice %arg2[%multiple_of3A_16, %multiple_of3A] : memref<100000x1024xf32, #tpu.memory_space<hbm>> -> memref<256x128xf32, #tpu.memory_space<hbm>>
    %dma_start3A_18 = tpu.memref_slice %arg2[%multiple_of3A_16, %multiple_of3A] : memref<100000x1024xf32, #tpu.memory_space<hbm>> -> memref<256x128xf32, #tpu.memory_space<hbm>>
    tpu.enqueue_dma source(%dma_start3A_18 : memref<256x128xf32, #tpu.memory_space<hbm>>) target(%arg8 : memref<256x128xf32, #tpu.memory_space<vmem>>) target_semaphore(%arg18 : memref<!tpu.dma_semaphore, #tpu.memory_space<semaphore_mem>>)
    %add3A_19 = arith.constant 512 : i32
    %add3A_20 = arith.addi %mul3A_4, %add3A_19 : i32
    %multiple_of3A_21 = tpu.assume_multiple %add3A_20, 8 : i32
    %dma_start3A_22 = tpu.memref_slice %arg2[%multiple_of3A_21, %multiple_of3A] : memref<100000x1024xf32, #tpu.memory_space<hbm>> -> memref<256x128xf32, #tpu.memory_space<hbm>>
    %dma_start3A_23 = tpu.memref_slice %arg2[%multiple_of3A_21, %multiple_of3A] : memref<100000x1024xf32, #tpu.memory_space<hbm>> -> memref<256x128xf32, #tpu.memory_space<hbm>>
    tpu.enqueue_dma source(%dma_start3A_23 : memref<256x128xf32, #tpu.memory_space<hbm>>) target(%arg9 : memref<256x128xf32, #tpu.memory_space<vmem>>) target_semaphore(%arg19 : memref<!tpu.dma_semaphore, #tpu.memory_space<semaphore_mem>>)
    %mul3A_24 = arith.constant 8192 : i32
    %mul3A_25 = arith.muli %rem3A_1, %mul3A_24 : i32
    "tpu.region"() ({
      %run_scoped3A = tpu.sem_alloc : memref<!tpu.dma_semaphore, #tpu.memory_space<semaphore_mem>>
      %dma_start3A_237 = tpu.memref_slice %arg3[%mul3A_25] : memref<65536xi32, #tpu.memory_space<hbm>> -> memref<8192xi32, #tpu.memory_space<hbm>>
      %dma_start3A_238 = tpu.memref_slice %arg3[%mul3A_25] : memref<65536xi32, #tpu.memory_space<hbm>> -> memref<8192xi32, #tpu.memory_space<hbm>>
      tpu.enqueue_dma source(%dma_start3A_238 : memref<8192xi32, #tpu.memory_space<hbm>>) target(%arg10 : memref<8192xi32, #tpu.memory_space<vmem>>) target_semaphore(%run_scoped3A : memref<!tpu.dma_semaphore, #tpu.memory_space<semaphore_mem>>)
      %dma_wait3A_239 = tpu.memref_slice %arg3[%mul3A_25] : memref<65536xi32, #tpu.memory_space<hbm>> -> memref<8192xi32, #tpu.memory_space<hbm>>
      %dma_wait3A_240 = tpu.memref_slice %arg3[%mul3A_25] : memref<65536xi32, #tpu.memory_space<hbm>> -> memref<8192xi32, #tpu.memory_space<hbm>>
      tpu.wait_dma2 semaphore(%run_scoped3A : memref<!tpu.dma_semaphore, #tpu.memory_space<semaphore_mem>>) src(%dma_wait3A_240 : memref<8192xi32, #tpu.memory_space<hbm>>) dst(%arg10 : memref<8192xi32, #tpu.memory_space<vmem>>)
      tpu.yield
    }) : () -> ()
    %mul3A_26 = arith.constant 8192 : i32
    %mul3A_27 = arith.muli %rem3A_1, %mul3A_26 : i32
    "tpu.region"() ({
      %run_scoped3A = tpu.sem_alloc : memref<!tpu.dma_semaphore, #tpu.memory_space<semaphore_mem>>
      %dma_start3A_237 = tpu.memref_slice %arg4[%mul3A_27] : memref<65536xf32, #tpu.memory_space<hbm>> -> memref<8192xf32, #tpu.memory_space<hbm>>
      %dma_start3A_238 = tpu.memref_slice %arg4[%mul3A_27] : memref<65536xf32, #tpu.memory_space<hbm>> -> memref<8192xf32, #tpu.memory_space<hbm>>
      tpu.enqueue_dma source(%dma_start3A_238 : memref<8192xf32, #tpu.memory_space<hbm>>) target(%arg11 : memref<8192xf32, #tpu.memory_space<vmem>>) target_semaphore(%run_scoped3A : memref<!tpu.dma_semaphore, #tpu.memory_space<semaphore_mem>>)
      %dma_wait3A_239 = tpu.memref_slice %arg4[%mul3A_27] : memref<65536xf32, #tpu.memory_space<hbm>> -> memref<8192xf32, #tpu.memory_space<hbm>>
      %dma_wait3A_240 = tpu.memref_slice %arg4[%mul3A_27] : memref<65536xf32, #tpu.memory_space<hbm>> -> memref<8192xf32, #tpu.memory_space<hbm>>
      tpu.wait_dma2 semaphore(%run_scoped3A : memref<!tpu.dma_semaphore, #tpu.memory_space<semaphore_mem>>) src(%dma_wait3A_240 : memref<8192xf32, #tpu.memory_space<hbm>>) dst(%arg11 : memref<8192xf32, #tpu.memory_space<vmem>>)
      tpu.yield
    }) : () -> ()
    "tpu.region"() ({
      %run_scoped3A = tpu.sem_alloc : memref<!tpu.dma_semaphore, #tpu.memory_space<semaphore_mem>>
      tpu.enqueue_dma source(%arg5 : memref<64xf32, #tpu.memory_space<hbm>>) target(%arg14 : memref<64xf32, #tpu.memory_space<vmem>>) target_semaphore(%run_scoped3A : memref<!tpu.dma_semaphore, #tpu.memory_space<semaphore_mem>>)
      tpu.wait_dma2 semaphore(%run_scoped3A : memref<!tpu.dma_semaphore, #tpu.memory_space<semaphore_mem>>) src(%arg5 : memref<64xf32, #tpu.memory_space<hbm>>) dst(%arg14 : memref<64xf32, #tpu.memory_space<vmem>>)
      tpu.yield
    }) : () -> ()
    %scan3A = arith.constant 0 : i32
    %scan3A_28 = arith.constant 0 : i32
    %scan3A_29 = arith.constant 512 : i32
    %scan3A_30 = arith.addi %scan3A_28, %scan3A_29 : i32
    %scan3A_31 = arith.constant 1 : i32
    %scan3A_32 = scf.for %scan3A_237 = %scan3A_28 to %scan3A_30 step %scan3A_31 iter_args(%scan3A_238 = %scan3A) -> (i32)  : i32 {
      %mul3A_239 = arith.constant 16 : i32
      %mul3A_240 = arith.muli %scan3A_237, %mul3A_239 : i32
      %get3A = arith.index_cast %mul3A_240 : i32 to index
      %get3A_241 = tpu.vector_load %arg10[%get3A] {strides = array<i32>} : memref<8192xi32, #tpu.memory_space<vmem>>, vector<16xi32>,
      %get3A_242 = arith.index_cast %mul3A_240 : i32 to index
      %get3A_243 = tpu.vector_load %arg11[%get3A_242] {strides = array<i32>} : memref<8192xf32, #tpu.memory_space<vmem>>, vector<16xf32>,
      %rem3A_244 = arith.constant 4 : i32
      %rem3A_245 = arith.remsi %scan3A_237, %rem3A_244 : i32
      %mul3A_246 = arith.constant 16 : i32
      %mul3A_247 = arith.muli %rem3A_245, %mul3A_246 : i32
      %get3A_248 = arith.index_cast %mul3A_247 : i32 to index
      %get3A_249 = tpu.vector_load %arg14[%get3A_248] {strides = array<i32>} : memref<64xf32, #tpu.memory_space<vmem>>, vector<16xf32>,
      %mul3A_250 = arith.mulf %get3A_243, %get3A_249 : vector<16xf32>
      %div3A_251 = arith.constant 4 : i32
      %div3A_252 = arith.divsi %scan3A_237, %div3A_251 : i32
      %ge3A = vector.broadcast %mul3A_4 : i32 to vector<16xi32>
      %ge3A_253 = arith.cmpi sge, %get3A_241, %ge3A : vector<16xi32>
      %add3A_254 = arith.constant 25000 : i32
      %add3A_255 = arith.addi %mul3A_4, %add3A_254 : i32
      %lt3A = vector.broadcast %add3A_255 : i32 to vector<16xi32>
      %lt3A_256 = arith.cmpi slt, %get3A_241, %lt3A : vector<16xi32>
      %and3A = arith.andi %ge3A_253, %lt3A_256 : vector<16xi1>
      %sub3A_257 = vector.broadcast %mul3A_4 : i32 to vector<16xi32>
      %sub3A_258 = arith.subi %get3A_241, %sub3A_257 : vector<16xi32>
      %mul3A_259 = arith.constant 128 : i32
      %mul3A_260 = vector.broadcast %mul3A_259 : i32 to vector<16xi32>
      %mul3A_261 = arith.muli %sub3A_258, %mul3A_260 : vector<16xi32>
      %add3A_262 = vector.broadcast %div3A_252 : i32 to vector<16xi32>
      %add3A_263 = arith.addi %mul3A_261, %add3A_262 : vector<16xi32>
      %convert_element_type3A = arith.extui %and3A : vector<16xi1> to vector<16xi32>
      %cumsum3A = arith.constant true
      %cumsum3A_264 = vector.broadcast %cumsum3A : i1 to vector<16xi1>
      %cumsum3A_265 = tpu.scan <sum>, %convert_element_type3A masked %cumsum3A_264 : vector<16xi32>, vector<16xi1> -> vector<16xi32>
      %add3A_266 = vector.broadcast %scan3A_238 : i32 to vector<16xi32>
      %add3A_267 = arith.addi %add3A_266, %cumsum3A_265 : vector<16xi32>
      %sub3A_268 = arith.constant 1 : i32
      %sub3A_269 = vector.broadcast %sub3A_268 : i32 to vector<16xi32>
      %sub3A_270 = arith.subi %add3A_267, %sub3A_269 : vector<16xi32>
      tpu.vector_store_idx %arg12[%sub3A_270], %add3A_263 masked %and3A : memref<6416xi32, #tpu.memory_space<vmem>>[vector<16xi32>], vector<16xi32>, vector<16xi1>
      tpu.vector_store_idx %arg13[%sub3A_270], %mul3A_250 masked %and3A : memref<6416xf32, #tpu.memory_space<vmem>>[vector<16xi32>], vector<16xf32>, vector<16xi1>
      %all_reduce_population_count3A = tpu.all_reduce %and3A {dim = 0 : i64, kind = #tpu.reduction_kind<sum>} : vector<16xi1> -> vector<16xi32>
      %reduce_max3A_271 = arith.constant true
      %reduce_max3A_272 = vector.broadcast %reduce_max3A_271 : i1 to vector<16xi1>
      %reduce_max3A_273 = arith.constant -2147483648 : i32
      %reduce_max3A_274 = vector.broadcast %reduce_max3A_273 : i32 to vector<16xi32>
      %reduce_max3A_275 = arith.xori %all_reduce_population_count3A, %reduce_max3A_274 : vector<16xi32>
      %reduce_max3A_276 = tpu.scan <max>, %reduce_max3A_275 masked %reduce_max3A_272 : vector<16xi32>, vector<16xi1> -> vector<16xi32>
      %reduce_max3A_277 = arith.xori %reduce_max3A_276, %reduce_max3A_274 : vector<16xi32>
      %reduce_max3A_278 = vector.extract %reduce_max3A_277[15] : i32 from vector<16xi32>
      %add3A_279 = arith.addi %scan3A_238, %reduce_max3A_278 : i32
      scf.yield %add3A_279 : i32
    }
    %scan3A_33 = arith.constant 512 : i32
    %add3A_34 = arith.constant 16 : i32
    %add3A_35 = arith.addi %scan3A_32, %add3A_34 : i32
    %sub3A = arith.constant 1 : i32
    %sub3A_36 = arith.subi %add3A_35, %sub3A : i32
    %div3A_37 = arith.constant 16 : i32
    %div3A_38 = arith.divsi %sub3A_36, %div3A_37 : i32
    %broadcast_in_dim3A_39 = arith.constant 0 : i32
    %broadcast_in_dim3A_40 = vector.broadcast %broadcast_in_dim3A_39 : i32 to vector<16xi32>
    %swap3A = arith.constant 0 : index
    %swap3A_41 = tpu.vector_load %arg15[%swap3A] {strides = array<i32>} : memref<128xi32, #tpu.memory_space<vmem>>, vector<16xi32>,
    tpu.vector_store %arg15[%swap3A], %broadcast_in_dim3A_40 {strides = array<i32>} : memref<128xi32, #tpu.memory_space<vmem>>, vector<16xi32>,
    %broadcast_in_dim3A_42 = arith.constant 0 : i32
    %broadcast_in_dim3A_43 = vector.broadcast %broadcast_in_dim3A_42 : i32 to vector<16xi32>
    %swap3A_44 = arith.constant 16 : index
    %swap3A_45 = tpu.vector_load %arg15[%swap3A_44] {strides = array<i32>} : memref<128xi32, #tpu.memory_space<vmem>>, vector<16xi32>,
    tpu.vector_store %arg15[%swap3A_44], %broadcast_in_dim3A_43 {strides = array<i32>} : memref<128xi32, #tpu.memory_space<vmem>>, vector<16xi32>,
    %broadcast_in_dim3A_46 = arith.constant 0 : i32
    %broadcast_in_dim3A_47 = vector.broadcast %broadcast_in_dim3A_46 : i32 to vector<16xi32>
    %swap3A_48 = arith.constant 32 : index
    %swap3A_49 = tpu.vector_load %arg15[%swap3A_48] {strides = array<i32>} : memref<128xi32, #tpu.memory_space<vmem>>, vector<16xi32>,
    tpu.vector_store %arg15[%swap3A_48], %broadcast_in_dim3A_47 {strides = array<i32>} : memref<128xi32, #tpu.memory_space<vmem>>, vector<16xi32>,
    %broadcast_in_dim3A_50 = arith.constant 0 : i32
    %broadcast_in_dim3A_51 = vector.broadcast %broadcast_in_dim3A_50 : i32 to vector<16xi32>
    %swap3A_52 = arith.constant 48 : index
    %swap3A_53 = tpu.vector_load %arg15[%swap3A_52] {strides = array<i32>} : memref<128xi32, #tpu.memory_space<vmem>>, vector<16xi32>,
    tpu.vector_store %arg15[%swap3A_52], %broadcast_in_dim3A_51 {strides = array<i32>} : memref<128xi32, #tpu.memory_space<vmem>>, vector<16xi32>,
    %broadcast_in_dim3A_54 = arith.constant 0 : i32
    %broadcast_in_dim3A_55 = vector.broadcast %broadcast_in_dim3A_54 : i32 to vector<16xi32>
    %swap3A_56 = arith.constant 64 : index
    %swap3A_57 = tpu.vector_load %arg15[%swap3A_56] {strides = array<i32>} : memref<128xi32, #tpu.memory_space<vmem>>, vector<16xi32>,
    tpu.vector_store %arg15[%swap3A_56], %broadcast_in_dim3A_55 {strides = array<i32>} : memref<128xi32, #tpu.memory_space<vmem>>, vector<16xi32>,
    %broadcast_in_dim3A_58 = arith.constant 0 : i32
    %broadcast_in_dim3A_59 = vector.broadcast %broadcast_in_dim3A_58 : i32 to vector<16xi32>
    %swap3A_60 = arith.constant 80 : index
    %swap3A_61 = tpu.vector_load %arg15[%swap3A_60] {strides = array<i32>} : memref<128xi32, #tpu.memory_space<vmem>>, vector<16xi32>,
    tpu.vector_store %arg15[%swap3A_60], %broadcast_in_dim3A_59 {strides = array<i32>} : memref<128xi32, #tpu.memory_space<vmem>>, vector<16xi32>,
    %broadcast_in_dim3A_62 = arith.constant 0 : i32
    %broadcast_in_dim3A_63 = vector.broadcast %broadcast_in_dim3A_62 : i32 to vector<16xi32>
    %swap3A_64 = arith.constant 96 : index
    %swap3A_65 = tpu.vector_load %arg15[%swap3A_64] {strides = array<i32>} : memref<128xi32, #tpu.memory_space<vmem>>, vector<16xi32>,
    tpu.vector_store %arg15[%swap3A_64], %broadcast_in_dim3A_63 {strides = array<i32>} : memref<128xi32, #tpu.memory_space<vmem>>, vector<16xi32>,
    %broadcast_in_dim3A_66 = arith.constant 0 : i32
    %broadcast_in_dim3A_67 = vector.broadcast %broadcast_in_dim3A_66 : i32 to vector<16xi32>
    %swap3A_68 = arith.constant 112 : index
    %swap3A_69 = tpu.vector_load %arg15[%swap3A_68] {strides = array<i32>} : memref<128xi32, #tpu.memory_space<vmem>>, vector<16xi32>,
    tpu.vector_store %arg15[%swap3A_68], %broadcast_in_dim3A_67 {strides = array<i32>} : memref<128xi32, #tpu.memory_space<vmem>>, vector<16xi32>,
    %while3A = arith.constant 0 : i32
    %while3A_70 = arith.constant 0 : i32
    %while3A_71 = arith.subi %div3A_38, %while3A : i32
    %while3A_72 = arith.addi %while3A, %while3A_71 : i32
    %while3A_73 = arith.constant 1 : i32
    %while3A_74 = arith.divsi %while3A_71, %while3A_73 : i32
    %while3A_75 = arith.muli %while3A_74, %while3A_73 : i32
    %while3A_76 = arith.addi %while3A, %while3A_75 : i32
    %while3A_77 = arith.constant 1 : i32
    %while3A_78 = scf.for %while3A_237 = %while3A to %while3A_76 step %while3A_77 iter_args(%while3A_238 = %while3A_70) -> (i32)  : i32 {
      %mul3A_239 = arith.constant 16 : i32
      %mul3A_240 = arith.muli %while3A_237, %mul3A_239 : i32
      %get3A = arith.index_cast %mul3A_240 : i32 to index
      %get3A_241 = tpu.vector_load %arg12[%get3A] {strides = array<i32>} : memref<6416xi32, #tpu.memory_space<vmem>>, vector<16xi32>,
      %div3A_242 = arith.constant 32768 : i32
      %div3A_243 = vector.broadcast %div3A_242 : i32 to vector<16xi32>
      %div3A_244 = arith.divsi %get3A_241, %div3A_243 : vector<16xi32>
      %mul3A_245 = arith.constant 16 : i32
      %mul3A_246 = arith.muli %while3A_237, %mul3A_245 : i32
      %sub3A_247 = arith.subi %scan3A_32, %mul3A_246 : i32
      %lt3A = vector.broadcast %sub3A_247 : i32 to vector<16xi32>
      %lt3A_248 = arith.cmpi slt, %iota3A, %lt3A : vector<16xi32>
      %eq3A_249 = arith.constant 0 : i32
      %eq3A_250 = vector.broadcast %eq3A_249 : i32 to vector<16xi32>
      %eq3A_251 = arith.cmpi eq, %iota3A, %eq3A_250 : vector<16xi32>
      %and3A = arith.andi %lt3A_248, %eq3A_251 : vector<16xi1>
      tpu.vector_store_idx %arg15[%div3A_244], %broadcast_in_dim3A_9 masked %and3A {add = true} : memref<128xi32, #tpu.memory_space<vmem>>[vector<16xi32>], vector<16xi32>, vector<16xi1>
      %eq3A_252 = arith.constant 1 : i32
      %eq3A_253 = vector.broadcast %eq3A_252 : i32 to vector<16xi32>
      %eq3A_254 = arith.cmpi eq, %iota3A, %eq3A_253 : vector<16xi32>
      %and3A_255 = arith.andi %lt3A_248, %eq3A_254 : vector<16xi1>
      tpu.vector_store_idx %arg15[%div3A_244], %broadcast_in_dim3A_9 masked %and3A_255 {add = true} : memref<128xi32, #tpu.memory_space<vmem>>[vector<16xi32>], vector<16xi32>, vector<16xi1>
      %eq3A_256 = arith.constant 2 : i32
      %eq3A_257 = vector.broadcast %eq3A_256 : i32 to vector<16xi32>
      %eq3A_258 = arith.cmpi eq, %iota3A, %eq3A_257 : vector<16xi32>
      %and3A_259 = arith.andi %lt3A_248, %eq3A_258 : vector<16xi1>
      tpu.vector_store_idx %arg15[%div3A_244], %broadcast_in_dim3A_9 masked %and3A_259 {add = true} : memref<128xi32, #tpu.memory_space<vmem>>[vector<16xi32>], vector<16xi32>, vector<16xi1>
      %eq3A_260 = arith.constant 3 : i32
      %eq3A_261 = vector.broadcast %eq3A_260 : i32 to vector<16xi32>
      %eq3A_262 = arith.cmpi eq, %iota3A, %eq3A_261 : vector<16xi32>
      %and3A_263 = arith.andi %lt3A_248, %eq3A_262 : vector<16xi1>
      tpu.vector_store_idx %arg15[%div3A_244], %broadcast_in_dim3A_9 masked %and3A_263 {add = true} : memref<128xi32, #tpu.memory_space<vmem>>[vector<16xi32>], vector<16xi32>, vector<16xi1>
      %eq3A_264 = arith.constant 4 : i32
      %eq3A_265 = vector.broadcast %eq3A_264 : i32 to vector<16xi32>
      %eq3A_266 = arith.cmpi eq, %iota3A, %eq3A_265 : vector<16xi32>
      %and3A_267 = arith.andi %lt3A_248, %eq3A_266 : vector<16xi1>
      tpu.vector_store_idx %arg15[%div3A_244], %broadcast_in_dim3A_9 masked %and3A_267 {add = true} : memref<128xi32, #tpu.memory_space<vmem>>[vector<16xi32>], vector<16xi32>, vector<16xi1>
      %eq3A_268 = arith.constant 5 : i32
      %eq3A_269 = vector.broadcast %eq3A_268 : i32 to vector<16xi32>
      %eq3A_270 = arith.cmpi eq, %iota3A, %eq3A_269 : vector<16xi32>
      %and3A_271 = arith.andi %lt3A_248, %eq3A_270 : vector<16xi1>
      tpu.vector_store_idx %arg15[%div3A_244], %broadcast_in_dim3A_9 masked %and3A_271 {add = true} : memref<128xi32, #tpu.memory_space<vmem>>[vector<16xi32>], vector<16xi32>, vector<16xi1>
      %eq3A_272 = arith.constant 6 : i32
      %eq3A_273 = vector.broadcast %eq3A_272 : i32 to vector<16xi32>
      %eq3A_274 = arith.cmpi eq, %iota3A, %eq3A_273 : vector<16xi32>
      %and3A_275 = arith.andi %lt3A_248, %eq3A_274 : vector<16xi1>
      tpu.vector_store_idx %arg15[%div3A_244], %broadcast_in_dim3A_9 masked %and3A_275 {add = true} : memref<128xi32, #tpu.memory_space<vmem>>[vector<16xi32>], vector<16xi32>, vector<16xi1>
      %eq3A_276 = arith.constant 7 : i32
      %eq3A_277 = vector.broadcast %eq3A_276 : i32 to vector<16xi32>
      %eq3A_278 = arith.cmpi eq, %iota3A, %eq3A_277 : vector<16xi32>
      %and3A_279 = arith.andi %lt3A_248, %eq3A_278 : vector<16xi1>
      tpu.vector_store_idx %arg15[%div3A_244], %broadcast_in_dim3A_9 masked %and3A_279 {add = true} : memref<128xi32, #tpu.memory_space<vmem>>[vector<16xi32>], vector<16xi32>, vector<16xi1>
      %eq3A_280 = arith.constant 8 : i32
      %eq3A_281 = vector.broadcast %eq3A_280 : i32 to vector<16xi32>
      %eq3A_282 = arith.cmpi eq, %iota3A, %eq3A_281 : vector<16xi32>
      %and3A_283 = arith.andi %lt3A_248, %eq3A_282 : vector<16xi1>
      tpu.vector_store_idx %arg15[%div3A_244], %broadcast_in_dim3A_9 masked %and3A_283 {add = true} : memref<128xi32, #tpu.memory_space<vmem>>[vector<16xi32>], vector<16xi32>, vector<16xi1>
      %eq3A_284 = arith.constant 9 : i32
      %eq3A_285 = vector.broadcast %eq3A_284 : i32 to vector<16xi32>
      %eq3A_286 = arith.cmpi eq, %iota3A, %eq3A_285 : vector<16xi32>
      %and3A_287 = arith.andi %lt3A_248, %eq3A_286 : vector<16xi1>
      tpu.vector_store_idx %arg15[%div3A_244], %broadcast_in_dim3A_9 masked %and3A_287 {add = true} : memref<128xi32, #tpu.memory_space<vmem>>[vector<16xi32>], vector<16xi32>, vector<16xi1>
      %eq3A_288 = arith.constant 10 : i32
      %eq3A_289 = vector.broadcast %eq3A_288 : i32 to vector<16xi32>
      %eq3A_290 = arith.cmpi eq, %iota3A, %eq3A_289 : vector<16xi32>
      %and3A_291 = arith.andi %lt3A_248, %eq3A_290 : vector<16xi1>
      tpu.vector_store_idx %arg15[%div3A_244], %broadcast_in_dim3A_9 masked %and3A_291 {add = true} : memref<128xi32, #tpu.memory_space<vmem>>[vector<16xi32>], vector<16xi32>, vector<16xi1>
      %eq3A_292 = arith.constant 11 : i32
      %eq3A_293 = vector.broadcast %eq3A_292 : i32 to vector<16xi32>
      %eq3A_294 = arith.cmpi eq, %iota3A, %eq3A_293 : vector<16xi32>
      %and3A_295 = arith.andi %lt3A_248, %eq3A_294 : vector<16xi1>
      tpu.vector_store_idx %arg15[%div3A_244], %broadcast_in_dim3A_9 masked %and3A_295 {add = true} : memref<128xi32, #tpu.memory_space<vmem>>[vector<16xi32>], vector<16xi32>, vector<16xi1>
      %eq3A_296 = arith.constant 12 : i32
      %eq3A_297 = vector.broadcast %eq3A_296 : i32 to vector<16xi32>
      %eq3A_298 = arith.cmpi eq, %iota3A, %eq3A_297 : vector<16xi32>
      %and3A_299 = arith.andi %lt3A_248, %eq3A_298 : vector<16xi1>
      tpu.vector_store_idx %arg15[%div3A_244], %broadcast_in_dim3A_9 masked %and3A_299 {add = true} : memref<128xi32, #tpu.memory_space<vmem>>[vector<16xi32>], vector<16xi32>, vector<16xi1>
      %eq3A_300 = arith.constant 13 : i32
      %eq3A_301 = vector.broadcast %eq3A_300 : i32 to vector<16xi32>
      %eq3A_302 = arith.cmpi eq, %iota3A, %eq3A_301 : vector<16xi32>
      %and3A_303 = arith.andi %lt3A_248, %eq3A_302 : vector<16xi1>
      tpu.vector_store_idx %arg15[%div3A_244], %broadcast_in_dim3A_9 masked %and3A_303 {add = true} : memref<128xi32, #tpu.memory_space<vmem>>[vector<16xi32>], vector<16xi32>, vector<16xi1>
      %eq3A_304 = arith.constant 14 : i32
      %eq3A_305 = vector.broadcast %eq3A_304 : i32 to vector<16xi32>
      %eq3A_306 = arith.cmpi eq, %iota3A, %eq3A_305 : vector<16xi32>
      %and3A_307 = arith.andi %lt3A_248, %eq3A_306 : vector<16xi1>
      tpu.vector_store_idx %arg15[%div3A_244], %broadcast_in_dim3A_9 masked %and3A_307 {add = true} : memref<128xi32, #tpu.memory_space<vmem>>[vector<16xi32>], vector<16xi32>, vector<16xi1>
      %eq3A_308 = arith.constant 15 : i32
      %eq3A_309 = vector.broadcast %eq3A_308 : i32 to vector<16xi32>
      %eq3A_310 = arith.cmpi eq, %iota3A, %eq3A_309 : vector<16xi32>
      %and3A_311 = arith.andi %lt3A_248, %eq3A_310 : vector<16xi1>
      tpu.vector_store_idx %arg15[%div3A_244], %broadcast_in_dim3A_9 masked %and3A_311 {add = true} : memref<128xi32, #tpu.memory_space<vmem>>[vector<16xi32>], vector<16xi32>, vector<16xi1>
      %while3A_312 = arith.constant 0 : i32
      scf.yield %while3A_312 : i32
    }
    %while3A_79 = arith.constant 1 : i32
    %while3A_80 = scf.for %while3A_237 = %while3A_76 to %while3A_72 step %while3A_79 iter_args(%while3A_238 = %while3A_78) -> (i32)  : i32 {
      %mul3A_239 = arith.constant 16 : i32
      %mul3A_240 = arith.muli %while3A_237, %mul3A_239 : i32
      %get3A = arith.index_cast %mul3A_240 : i32 to index
      %get3A_241 = tpu.vector_load %arg12[%get3A] {strides = array<i32>} : memref<6416xi32, #tpu.memory_space<vmem>>, vector<16xi32>,
      %div3A_242 = arith.constant 32768 : i32
      %div3A_243 = vector.broadcast %div3A_242 : i32 to vector<16xi32>
      %div3A_244 = arith.divsi %get3A_241, %div3A_243 : vector<16xi32>
      %mul3A_245 = arith.constant 16 : i32
      %mul3A_246 = arith.muli %while3A_237, %mul3A_245 : i32
      %sub3A_247 = arith.subi %scan3A_32, %mul3A_246 : i32
      %lt3A = vector.broadcast %sub3A_247 : i32 to vector<16xi32>
      %lt3A_248 = arith.cmpi slt, %iota3A, %lt3A : vector<16xi32>
      %eq3A_249 = arith.constant 0 : i32
      %eq3A_250 = vector.broadcast %eq3A_249 : i32 to vector<16xi32>
      %eq3A_251 = arith.cmpi eq, %iota3A, %eq3A_250 : vector<16xi32>
      %and3A = arith.andi %lt3A_248, %eq3A_251 : vector<16xi1>
      tpu.vector_store_idx %arg15[%div3A_244], %broadcast_in_dim3A_9 masked %and3A {add = true} : memref<128xi32, #tpu.memory_space<vmem>>[vector<16xi32>], vector<16xi32>, vector<16xi1>
      %eq3A_252 = arith.constant 1 : i32
      %eq3A_253 = vector.broadcast %eq3A_252 : i32 to vector<16xi32>
      %eq3A_254 = arith.cmpi eq, %iota3A, %eq3A_253 : vector<16xi32>
      %and3A_255 = arith.andi %lt3A_248, %eq3A_254 : vector<16xi1>
      tpu.vector_store_idx %arg15[%div3A_244], %broadcast_in_dim3A_9 masked %and3A_255 {add = true} : memref<128xi32, #tpu.memory_space<vmem>>[vector<16xi32>], vector<16xi32>, vector<16xi1>
      %eq3A_256 = arith.constant 2 : i32
      %eq3A_257 = vector.broadcast %eq3A_256 : i32 to vector<16xi32>
      %eq3A_258 = arith.cmpi eq, %iota3A, %eq3A_257 : vector<16xi32>
      %and3A_259 = arith.andi %lt3A_248, %eq3A_258 : vector<16xi1>
      tpu.vector_store_idx %arg15[%div3A_244], %broadcast_in_dim3A_9 masked %and3A_259 {add = true} : memref<128xi32, #tpu.memory_space<vmem>>[vector<16xi32>], vector<16xi32>, vector<16xi1>
      %eq3A_260 = arith.constant 3 : i32
      %eq3A_261 = vector.broadcast %eq3A_260 : i32 to vector<16xi32>
      %eq3A_262 = arith.cmpi eq, %iota3A, %eq3A_261 : vector<16xi32>
      %and3A_263 = arith.andi %lt3A_248, %eq3A_262 : vector<16xi1>
      tpu.vector_store_idx %arg15[%div3A_244], %broadcast_in_dim3A_9 masked %and3A_263 {add = true} : memref<128xi32, #tpu.memory_space<vmem>>[vector<16xi32>], vector<16xi32>, vector<16xi1>
      %eq3A_264 = arith.constant 4 : i32
      %eq3A_265 = vector.broadcast %eq3A_264 : i32 to vector<16xi32>
      %eq3A_266 = arith.cmpi eq, %iota3A, %eq3A_265 : vector<16xi32>
      %and3A_267 = arith.andi %lt3A_248, %eq3A_266 : vector<16xi1>
      tpu.vector_store_idx %arg15[%div3A_244], %broadcast_in_dim3A_9 masked %and3A_267 {add = true} : memref<128xi32, #tpu.memory_space<vmem>>[vector<16xi32>], vector<16xi32>, vector<16xi1>
      %eq3A_268 = arith.constant 5 : i32
      %eq3A_269 = vector.broadcast %eq3A_268 : i32 to vector<16xi32>
      %eq3A_270 = arith.cmpi eq, %iota3A, %eq3A_269 : vector<16xi32>
      %and3A_271 = arith.andi %lt3A_248, %eq3A_270 : vector<16xi1>
      tpu.vector_store_idx %arg15[%div3A_244], %broadcast_in_dim3A_9 masked %and3A_271 {add = true} : memref<128xi32, #tpu.memory_space<vmem>>[vector<16xi32>], vector<16xi32>, vector<16xi1>
      %eq3A_272 = arith.constant 6 : i32
      %eq3A_273 = vector.broadcast %eq3A_272 : i32 to vector<16xi32>
      %eq3A_274 = arith.cmpi eq, %iota3A, %eq3A_273 : vector<16xi32>
      %and3A_275 = arith.andi %lt3A_248, %eq3A_274 : vector<16xi1>
      tpu.vector_store_idx %arg15[%div3A_244], %broadcast_in_dim3A_9 masked %and3A_275 {add = true} : memref<128xi32, #tpu.memory_space<vmem>>[vector<16xi32>], vector<16xi32>, vector<16xi1>
      %eq3A_276 = arith.constant 7 : i32
      %eq3A_277 = vector.broadcast %eq3A_276 : i32 to vector<16xi32>
      %eq3A_278 = arith.cmpi eq, %iota3A, %eq3A_277 : vector<16xi32>
      %and3A_279 = arith.andi %lt3A_248, %eq3A_278 : vector<16xi1>
      tpu.vector_store_idx %arg15[%div3A_244], %broadcast_in_dim3A_9 masked %and3A_279 {add = true} : memref<128xi32, #tpu.memory_space<vmem>>[vector<16xi32>], vector<16xi32>, vector<16xi1>
      %eq3A_280 = arith.constant 8 : i32
      %eq3A_281 = vector.broadcast %eq3A_280 : i32 to vector<16xi32>
      %eq3A_282 = arith.cmpi eq, %iota3A, %eq3A_281 : vector<16xi32>
      %and3A_283 = arith.andi %lt3A_248, %eq3A_282 : vector<16xi1>
      tpu.vector_store_idx %arg15[%div3A_244], %broadcast_in_dim3A_9 masked %and3A_283 {add = true} : memref<128xi32, #tpu.memory_space<vmem>>[vector<16xi32>], vector<16xi32>, vector<16xi1>
      %eq3A_284 = arith.constant 9 : i32
      %eq3A_285 = vector.broadcast %eq3A_284 : i32 to vector<16xi32>
      %eq3A_286 = arith.cmpi eq, %iota3A, %eq3A_285 : vector<16xi32>
      %and3A_287 = arith.andi %lt3A_248, %eq3A_286 : vector<16xi1>
      tpu.vector_store_idx %arg15[%div3A_244], %broadcast_in_dim3A_9 masked %and3A_287 {add = true} : memref<128xi32, #tpu.memory_space<vmem>>[vector<16xi32>], vector<16xi32>, vector<16xi1>
      %eq3A_288 = arith.constant 10 : i32
      %eq3A_289 = vector.broadcast %eq3A_288 : i32 to vector<16xi32>
      %eq3A_290 = arith.cmpi eq, %iota3A, %eq3A_289 : vector<16xi32>
      %and3A_291 = arith.andi %lt3A_248, %eq3A_290 : vector<16xi1>
      tpu.vector_store_idx %arg15[%div3A_244], %broadcast_in_dim3A_9 masked %and3A_291 {add = true} : memref<128xi32, #tpu.memory_space<vmem>>[vector<16xi32>], vector<16xi32>, vector<16xi1>
      %eq3A_292 = arith.constant 11 : i32
      %eq3A_293 = vector.broadcast %eq3A_292 : i32 to vector<16xi32>
      %eq3A_294 = arith.cmpi eq, %iota3A, %eq3A_293 : vector<16xi32>
      %and3A_295 = arith.andi %lt3A_248, %eq3A_294 : vector<16xi1>
      tpu.vector_store_idx %arg15[%div3A_244], %broadcast_in_dim3A_9 masked %and3A_295 {add = true} : memref<128xi32, #tpu.memory_space<vmem>>[vector<16xi32>], vector<16xi32>, vector<16xi1>
      %eq3A_296 = arith.constant 12 : i32
      %eq3A_297 = vector.broadcast %eq3A_296 : i32 to vector<16xi32>
      %eq3A_298 = arith.cmpi eq, %iota3A, %eq3A_297 : vector<16xi32>
      %and3A_299 = arith.andi %lt3A_248, %eq3A_298 : vector<16xi1>
      tpu.vector_store_idx %arg15[%div3A_244], %broadcast_in_dim3A_9 masked %and3A_299 {add = true} : memref<128xi32, #tpu.memory_space<vmem>>[vector<16xi32>], vector<16xi32>, vector<16xi1>
      %eq3A_300 = arith.constant 13 : i32
      %eq3A_301 = vector.broadcast %eq3A_300 : i32 to vector<16xi32>
      %eq3A_302 = arith.cmpi eq, %iota3A, %eq3A_301 : vector<16xi32>
      %and3A_303 = arith.andi %lt3A_248, %eq3A_302 : vector<16xi1>
      tpu.vector_store_idx %arg15[%div3A_244], %broadcast_in_dim3A_9 masked %and3A_303 {add = true} : memref<128xi32, #tpu.memory_space<vmem>>[vector<16xi32>], vector<16xi32>, vector<16xi1>
      %eq3A_304 = arith.constant 14 : i32
      %eq3A_305 = vector.broadcast %eq3A_304 : i32 to vector<16xi32>
      %eq3A_306 = arith.cmpi eq, %iota3A, %eq3A_305 : vector<16xi32>
      %and3A_307 = arith.andi %lt3A_248, %eq3A_306 : vector<16xi1>
      tpu.vector_store_idx %arg15[%div3A_244], %broadcast_in_dim3A_9 masked %and3A_307 {add = true} : memref<128xi32, #tpu.memory_space<vmem>>[vector<16xi32>], vector<16xi32>, vector<16xi1>
      %eq3A_308 = arith.constant 15 : i32
      %eq3A_309 = vector.broadcast %eq3A_308 : i32 to vector<16xi32>
      %eq3A_310 = arith.cmpi eq, %iota3A, %eq3A_309 : vector<16xi32>
      %and3A_311 = arith.andi %lt3A_248, %eq3A_310 : vector<16xi1>
      tpu.vector_store_idx %arg15[%div3A_244], %broadcast_in_dim3A_9 masked %and3A_311 {add = true} : memref<128xi32, #tpu.memory_space<vmem>>[vector<16xi32>], vector<16xi32>, vector<16xi1>
      %while3A_312 = arith.constant 0 : i32
      scf.yield %while3A_312 : i32
    }
    %scan3A_81 = arith.constant 0 : i32
    %scan3A_82 = arith.constant 0 : i32
    %scan3A_83 = arith.constant 8 : i32
    %scan3A_84 = arith.addi %scan3A_82, %scan3A_83 : i32
    %scan3A_85 = arith.constant 1 : i32
    %scan3A_86 = scf.for %scan3A_237 = %scan3A_82 to %scan3A_84 step %scan3A_85 iter_args(%scan3A_238 = %scan3A_81) -> (i32)  : i32 {
      %mul3A_239 = arith.constant 16 : i32
      %mul3A_240 = arith.muli %scan3A_237, %mul3A_239 : i32
      %get3A = arith.index_cast %mul3A_240 : i32 to index
      %get3A_241 = tpu.vector_load %arg15[%get3A] {strides = array<i32>} : memref<128xi32, #tpu.memory_space<vmem>>, vector<16xi32>,
      %cumsum3A = arith.constant true
      %cumsum3A_242 = vector.broadcast %cumsum3A : i1 to vector<16xi1>
      %cumsum3A_243 = tpu.scan <sum>, %get3A_241 masked %cumsum3A_242 : vector<16xi32>, vector<16xi1> -> vector<16xi32>
      %sub3A_244 = arith.subi %cumsum3A_243, %get3A_241 : vector<16xi32>
      %add3A_245 = vector.broadcast %scan3A_238 : i32 to vector<16xi32>
      %add3A_246 = arith.addi %sub3A_244, %add3A_245 : vector<16xi32>
      %swap3A_247 = arith.index_cast %mul3A_240 : i32 to index
      %swap3A_248 = tpu.vector_load %arg16[%swap3A_247] {strides = array<i32>} : memref<128xi32, #tpu.memory_space<vmem>>, vector<16xi32>,
      tpu.vector_store %arg16[%swap3A_247], %add3A_246 {strides = array<i32>} : memref<128xi32, #tpu.memory_space<vmem>>, vector<16xi32>,
      %reduce_sum3A = arith.constant true
      %reduce_sum3A_249 = vector.broadcast %reduce_sum3A : i1 to vector<16xi1>
      %reduce_sum3A_250 = tpu.scan <sum>, %get3A_241 masked %reduce_sum3A_249 : vector<16xi32>, vector<16xi1> -> vector<16xi32>
      %reduce_sum3A_251 = vector.extract %reduce_sum3A_250[15] : i32 from vector<16xi32>
      %add3A_252 = arith.addi %scan3A_238, %reduce_sum3A_251 : i32
      scf.yield %add3A_252 : i32
    }
    %scan3A_87 = arith.constant 8 : i32
    %while3A_88 = arith.constant 0 : i32
    %while3A_89 = arith.constant 0 : i32
    %while3A_90 = arith.subi %div3A_38, %while3A_88 : i32
    %while3A_91 = arith.addi %while3A_88, %while3A_90 : i32
    %while3A_92 = arith.constant 1 : i32
    %while3A_93 = arith.divsi %while3A_90, %while3A_92 : i32
    %while3A_94 = arith.muli %while3A_93, %while3A_92 : i32
    %while3A_95 = arith.addi %while3A_88, %while3A_94 : i32
    %while3A_96 = arith.constant 1 : i32
    %while3A_97 = scf.for %while3A_237 = %while3A_88 to %while3A_95 step %while3A_96 iter_args(%while3A_238 = %while3A_89) -> (i32)  : i32 {
      %mul3A_239 = arith.constant 16 : i32
      %mul3A_240 = arith.muli %while3A_237, %mul3A_239 : i32
      %get3A = arith.index_cast %mul3A_240 : i32 to index
      %get3A_241 = tpu.vector_load %arg12[%get3A] {strides = array<i32>} : memref<6416xi32, #tpu.memory_space<vmem>>, vector<16xi32>,
      %get3A_242 = arith.index_cast %mul3A_240 : i32 to index
      %get3A_243 = tpu.vector_load %arg13[%get3A_242] {strides = array<i32>} : memref<6416xf32, #tpu.memory_space<vmem>>, vector<16xf32>,
      %div3A_244 = arith.constant 32768 : i32
      %div3A_245 = vector.broadcast %div3A_244 : i32 to vector<16xi32>
      %div3A_246 = arith.divsi %get3A_241, %div3A_245 : vector<16xi32>
      %mul3A_247 = arith.constant 32768 : i32
      %mul3A_248 = vector.broadcast %mul3A_247 : i32 to vector<16xi32>
      %mul3A_249 = arith.muli %div3A_246, %mul3A_248 : vector<16xi32>
      %sub3A_250 = arith.subi %get3A_241, %mul3A_249 : vector<16xi32>
      %mul3A_251 = arith.constant 16 : i32
      %mul3A_252 = arith.muli %while3A_237, %mul3A_251 : i32
      %sub3A_253 = arith.subi %scan3A_32, %mul3A_252 : i32
      %lt3A = vector.broadcast %sub3A_253 : i32 to vector<16xi32>
      %lt3A_254 = arith.cmpi slt, %iota3A, %lt3A : vector<16xi32>
      %eq3A_255 = arith.constant 0 : i32
      %eq3A_256 = vector.broadcast %eq3A_255 : i32 to vector<16xi32>
      %eq3A_257 = arith.cmpi eq, %iota3A, %eq3A_256 : vector<16xi32>
      %and3A = arith.andi %lt3A_254, %eq3A_257 : vector<16xi1>
      %gather3A_258 = tpu.vector_load_idx %arg16[%div3A_246] masked %and3A : memref<128xi32, #tpu.memory_space<vmem>>[vector<16xi32>], vector<16xi32>, vector<16xi1>
      tpu.vector_store_idx %arg10[%gather3A_258], %sub3A_250 masked %and3A : memref<8192xi32, #tpu.memory_space<vmem>>[vector<16xi32>], vector<16xi32>, vector<16xi1>
      tpu.vector_store_idx %arg11[%gather3A_258], %get3A_243 masked %and3A : memref<8192xf32, #tpu.memory_space<vmem>>[vector<16xi32>], vector<16xf32>, vector<16xi1>
      tpu.vector_store_idx %arg16[%div3A_246], %broadcast_in_dim3A_9 masked %and3A {add = true} : memref<128xi32, #tpu.memory_space<vmem>>[vector<16xi32>], vector<16xi32>, vector<16xi1>
      %eq3A_259 = arith.constant 1 : i32
      %eq3A_260 = vector.broadcast %eq3A_259 : i32 to vector<16xi32>
      %eq3A_261 = arith.cmpi eq, %iota3A, %eq3A_260 : vector<16xi32>
      %and3A_262 = arith.andi %lt3A_254, %eq3A_261 : vector<16xi1>
      %gather3A_263 = tpu.vector_load_idx %arg16[%div3A_246] masked %and3A_262 : memref<128xi32, #tpu.memory_space<vmem>>[vector<16xi32>], vector<16xi32>, vector<16xi1>
      tpu.vector_store_idx %arg10[%gather3A_263], %sub3A_250 masked %and3A_262 : memref<8192xi32, #tpu.memory_space<vmem>>[vector<16xi32>], vector<16xi32>, vector<16xi1>
      tpu.vector_store_idx %arg11[%gather3A_263], %get3A_243 masked %and3A_262 : memref<8192xf32, #tpu.memory_space<vmem>>[vector<16xi32>], vector<16xf32>, vector<16xi1>
      tpu.vector_store_idx %arg16[%div3A_246], %broadcast_in_dim3A_9 masked %and3A_262 {add = true} : memref<128xi32, #tpu.memory_space<vmem>>[vector<16xi32>], vector<16xi32>, vector<16xi1>
      %eq3A_264 = arith.constant 2 : i32
      %eq3A_265 = vector.broadcast %eq3A_264 : i32 to vector<16xi32>
      %eq3A_266 = arith.cmpi eq, %iota3A, %eq3A_265 : vector<16xi32>
      %and3A_267 = arith.andi %lt3A_254, %eq3A_266 : vector<16xi1>
      %gather3A_268 = tpu.vector_load_idx %arg16[%div3A_246] masked %and3A_267 : memref<128xi32, #tpu.memory_space<vmem>>[vector<16xi32>], vector<16xi32>, vector<16xi1>
      tpu.vector_store_idx %arg10[%gather3A_268], %sub3A_250 masked %and3A_267 : memref<8192xi32, #tpu.memory_space<vmem>>[vector<16xi32>], vector<16xi32>, vector<16xi1>
      tpu.vector_store_idx %arg11[%gather3A_268], %get3A_243 masked %and3A_267 : memref<8192xf32, #tpu.memory_space<vmem>>[vector<16xi32>], vector<16xf32>, vector<16xi1>
      tpu.vector_store_idx %arg16[%div3A_246], %broadcast_in_dim3A_9 masked %and3A_267 {add = true} : memref<128xi32, #tpu.memory_space<vmem>>[vector<16xi32>], vector<16xi32>, vector<16xi1>
      %eq3A_269 = arith.constant 3 : i32
      %eq3A_270 = vector.broadcast %eq3A_269 : i32 to vector<16xi32>
      %eq3A_271 = arith.cmpi eq, %iota3A, %eq3A_270 : vector<16xi32>
      %and3A_272 = arith.andi %lt3A_254, %eq3A_271 : vector<16xi1>
      %gather3A_273 = tpu.vector_load_idx %arg16[%div3A_246] masked %and3A_272 : memref<128xi32, #tpu.memory_space<vmem>>[vector<16xi32>], vector<16xi32>, vector<16xi1>
      tpu.vector_store_idx %arg10[%gather3A_273], %sub3A_250 masked %and3A_272 : memref<8192xi32, #tpu.memory_space<vmem>>[vector<16xi32>], vector<16xi32>, vector<16xi1>
      tpu.vector_store_idx %arg11[%gather3A_273], %get3A_243 masked %and3A_272 : memref<8192xf32, #tpu.memory_space<vmem>>[vector<16xi32>], vector<16xf32>, vector<16xi1>
      tpu.vector_store_idx %arg16[%div3A_246], %broadcast_in_dim3A_9 masked %and3A_272 {add = true} : memref<128xi32, #tpu.memory_space<vmem>>[vector<16xi32>], vector<16xi32>, vector<16xi1>
      %eq3A_274 = arith.constant 4 : i32
      %eq3A_275 = vector.broadcast %eq3A_274 : i32 to vector<16xi32>
      %eq3A_276 = arith.cmpi eq, %iota3A, %eq3A_275 : vector<16xi32>
      %and3A_277 = arith.andi %lt3A_254, %eq3A_276 : vector<16xi1>
      %gather3A_278 = tpu.vector_load_idx %arg16[%div3A_246] masked %and3A_277 : memref<128xi32, #tpu.memory_space<vmem>>[vector<16xi32>], vector<16xi32>, vector<16xi1>
      tpu.vector_store_idx %arg10[%gather3A_278], %sub3A_250 masked %and3A_277 : memref<8192xi32, #tpu.memory_space<vmem>>[vector<16xi32>], vector<16xi32>, vector<16xi1>
      tpu.vector_store_idx %arg11[%gather3A_278], %get3A_243 masked %and3A_277 : memref<8192xf32, #tpu.memory_space<vmem>>[vector<16xi32>], vector<16xf32>, vector<16xi1>
      tpu.vector_store_idx %arg16[%div3A_246], %broadcast_in_dim3A_9 masked %and3A_277 {add = true} : memref<128xi32, #tpu.memory_space<vmem>>[vector<16xi32>], vector<16xi32>, vector<16xi1>
      %eq3A_279 = arith.constant 5 : i32
      %eq3A_280 = vector.broadcast %eq3A_279 : i32 to vector<16xi32>
      %eq3A_281 = arith.cmpi eq, %iota3A, %eq3A_280 : vector<16xi32>
      %and3A_282 = arith.andi %lt3A_254, %eq3A_281 : vector<16xi1>
      %gather3A_283 = tpu.vector_load_idx %arg16[%div3A_246] masked %and3A_282 : memref<128xi32, #tpu.memory_space<vmem>>[vector<16xi32>], vector<16xi32>, vector<16xi1>
      tpu.vector_store_idx %arg10[%gather3A_283], %sub3A_250 masked %and3A_282 : memref<8192xi32, #tpu.memory_space<vmem>>[vector<16xi32>], vector<16xi32>, vector<16xi1>
      tpu.vector_store_idx %arg11[%gather3A_283], %get3A_243 masked %and3A_282 : memref<8192xf32, #tpu.memory_space<vmem>>[vector<16xi32>], vector<16xf32>, vector<16xi1>
      tpu.vector_store_idx %arg16[%div3A_246], %broadcast_in_dim3A_9 masked %and3A_282 {add = true} : memref<128xi32, #tpu.memory_space<vmem>>[vector<16xi32>], vector<16xi32>, vector<16xi1>
      %eq3A_284 = arith.constant 6 : i32
      %eq3A_285 = vector.broadcast %eq3A_284 : i32 to vector<16xi32>
      %eq3A_286 = arith.cmpi eq, %iota3A, %eq3A_285 : vector<16xi32>
      %and3A_287 = arith.andi %lt3A_254, %eq3A_286 : vector<16xi1>
      %gather3A_288 = tpu.vector_load_idx %arg16[%div3A_246] masked %and3A_287 : memref<128xi32, #tpu.memory_space<vmem>>[vector<16xi32>], vector<16xi32>, vector<16xi1>
      tpu.vector_store_idx %arg10[%gather3A_288], %sub3A_250 masked %and3A_287 : memref<8192xi32, #tpu.memory_space<vmem>>[vector<16xi32>], vector<16xi32>, vector<16xi1>
      tpu.vector_store_idx %arg11[%gather3A_288], %get3A_243 masked %and3A_287 : memref<8192xf32, #tpu.memory_space<vmem>>[vector<16xi32>], vector<16xf32>, vector<16xi1>
      tpu.vector_store_idx %arg16[%div3A_246], %broadcast_in_dim3A_9 masked %and3A_287 {add = true} : memref<128xi32, #tpu.memory_space<vmem>>[vector<16xi32>], vector<16xi32>, vector<16xi1>
      %eq3A_289 = arith.constant 7 : i32
      %eq3A_290 = vector.broadcast %eq3A_289 : i32 to vector<16xi32>
      %eq3A_291 = arith.cmpi eq, %iota3A, %eq3A_290 : vector<16xi32>
      %and3A_292 = arith.andi %lt3A_254, %eq3A_291 : vector<16xi1>
      %gather3A_293 = tpu.vector_load_idx %arg16[%div3A_246] masked %and3A_292 : memref<128xi32, #tpu.memory_space<vmem>>[vector<16xi32>], vector<16xi32>, vector<16xi1>
      tpu.vector_store_idx %arg10[%gather3A_293], %sub3A_250 masked %and3A_292 : memref<8192xi32, #tpu.memory_space<vmem>>[vector<16xi32>], vector<16xi32>, vector<16xi1>
      tpu.vector_store_idx %arg11[%gather3A_293], %get3A_243 masked %and3A_292 : memref<8192xf32, #tpu.memory_space<vmem>>[vector<16xi32>], vector<16xf32>, vector<16xi1>
      tpu.vector_store_idx %arg16[%div3A_246], %broadcast_in_dim3A_9 masked %and3A_292 {add = true} : memref<128xi32, #tpu.memory_space<vmem>>[vector<16xi32>], vector<16xi32>, vector<16xi1>
      %eq3A_294 = arith.constant 8 : i32
      %eq3A_295 = vector.broadcast %eq3A_294 : i32 to vector<16xi32>
      %eq3A_296 = arith.cmpi eq, %iota3A, %eq3A_295 : vector<16xi32>
      %and3A_297 = arith.andi %lt3A_254, %eq3A_296 : vector<16xi1>
      %gather3A_298 = tpu.vector_load_idx %arg16[%div3A_246] masked %and3A_297 : memref<128xi32, #tpu.memory_space<vmem>>[vector<16xi32>], vector<16xi32>, vector<16xi1>
      tpu.vector_store_idx %arg10[%gather3A_298], %sub3A_250 masked %and3A_297 : memref<8192xi32, #tpu.memory_space<vmem>>[vector<16xi32>], vector<16xi32>, vector<16xi1>
      tpu.vector_store_idx %arg11[%gather3A_298], %get3A_243 masked %and3A_297 : memref<8192xf32, #tpu.memory_space<vmem>>[vector<16xi32>], vector<16xf32>, vector<16xi1>
      tpu.vector_store_idx %arg16[%div3A_246], %broadcast_in_dim3A_9 masked %and3A_297 {add = true} : memref<128xi32, #tpu.memory_space<vmem>>[vector<16xi32>], vector<16xi32>, vector<16xi1>
      %eq3A_299 = arith.constant 9 : i32
      %eq3A_300 = vector.broadcast %eq3A_299 : i32 to vector<16xi32>
      %eq3A_301 = arith.cmpi eq, %iota3A, %eq3A_300 : vector<16xi32>
      %and3A_302 = arith.andi %lt3A_254, %eq3A_301 : vector<16xi1>
      %gather3A_303 = tpu.vector_load_idx %arg16[%div3A_246] masked %and3A_302 : memref<128xi32, #tpu.memory_space<vmem>>[vector<16xi32>], vector<16xi32>, vector<16xi1>
      tpu.vector_store_idx %arg10[%gather3A_303], %sub3A_250 masked %and3A_302 : memref<8192xi32, #tpu.memory_space<vmem>>[vector<16xi32>], vector<16xi32>, vector<16xi1>
      tpu.vector_store_idx %arg11[%gather3A_303], %get3A_243 masked %and3A_302 : memref<8192xf32, #tpu.memory_space<vmem>>[vector<16xi32>], vector<16xf32>, vector<16xi1>
      tpu.vector_store_idx %arg16[%div3A_246], %broadcast_in_dim3A_9 masked %and3A_302 {add = true} : memref<128xi32, #tpu.memory_space<vmem>>[vector<16xi32>], vector<16xi32>, vector<16xi1>
      %eq3A_304 = arith.constant 10 : i32
      %eq3A_305 = vector.broadcast %eq3A_304 : i32 to vector<16xi32>
      %eq3A_306 = arith.cmpi eq, %iota3A, %eq3A_305 : vector<16xi32>
      %and3A_307 = arith.andi %lt3A_254, %eq3A_306 : vector<16xi1>
      %gather3A_308 = tpu.vector_load_idx %arg16[%div3A_246] masked %and3A_307 : memref<128xi32, #tpu.memory_space<vmem>>[vector<16xi32>], vector<16xi32>, vector<16xi1>
      tpu.vector_store_idx %arg10[%gather3A_308], %sub3A_250 masked %and3A_307 : memref<8192xi32, #tpu.memory_space<vmem>>[vector<16xi32>], vector<16xi32>, vector<16xi1>
      tpu.vector_store_idx %arg11[%gather3A_308], %get3A_243 masked %and3A_307 : memref<8192xf32, #tpu.memory_space<vmem>>[vector<16xi32>], vector<16xf32>, vector<16xi1>
      tpu.vector_store_idx %arg16[%div3A_246], %broadcast_in_dim3A_9 masked %and3A_307 {add = true} : memref<128xi32, #tpu.memory_space<vmem>>[vector<16xi32>], vector<16xi32>, vector<16xi1>
      %eq3A_309 = arith.constant 11 : i32
      %eq3A_310 = vector.broadcast %eq3A_309 : i32 to vector<16xi32>
      %eq3A_311 = arith.cmpi eq, %iota3A, %eq3A_310 : vector<16xi32>
      %and3A_312 = arith.andi %lt3A_254, %eq3A_311 : vector<16xi1>
      %gather3A_313 = tpu.vector_load_idx %arg16[%div3A_246] masked %and3A_312 : memref<128xi32, #tpu.memory_space<vmem>>[vector<16xi32>], vector<16xi32>, vector<16xi1>
      tpu.vector_store_idx %arg10[%gather3A_313], %sub3A_250 masked %and3A_312 : memref<8192xi32, #tpu.memory_space<vmem>>[vector<16xi32>], vector<16xi32>, vector<16xi1>
      tpu.vector_store_idx %arg11[%gather3A_313], %get3A_243 masked %and3A_312 : memref<8192xf32, #tpu.memory_space<vmem>>[vector<16xi32>], vector<16xf32>, vector<16xi1>
      tpu.vector_store_idx %arg16[%div3A_246], %broadcast_in_dim3A_9 masked %and3A_312 {add = true} : memref<128xi32, #tpu.memory_space<vmem>>[vector<16xi32>], vector<16xi32>, vector<16xi1>
      %eq3A_314 = arith.constant 12 : i32
      %eq3A_315 = vector.broadcast %eq3A_314 : i32 to vector<16xi32>
      %eq3A_316 = arith.cmpi eq, %iota3A, %eq3A_315 : vector<16xi32>
      %and3A_317 = arith.andi %lt3A_254, %eq3A_316 : vector<16xi1>
      %gather3A_318 = tpu.vector_load_idx %arg16[%div3A_246] masked %and3A_317 : memref<128xi32, #tpu.memory_space<vmem>>[vector<16xi32>], vector<16xi32>, vector<16xi1>
      tpu.vector_store_idx %arg10[%gather3A_318], %sub3A_250 masked %and3A_317 : memref<8192xi32, #tpu.memory_space<vmem>>[vector<16xi32>], vector<16xi32>, vector<16xi1>
      tpu.vector_store_idx %arg11[%gather3A_318], %get3A_243 masked %and3A_317 : memref<8192xf32, #tpu.memory_space<vmem>>[vector<16xi32>], vector<16xf32>, vector<16xi1>
      tpu.vector_store_idx %arg16[%div3A_246], %broadcast_in_dim3A_9 masked %and3A_317 {add = true} : memref<128xi32, #tpu.memory_space<vmem>>[vector<16xi32>], vector<16xi32>, vector<16xi1>
      %eq3A_319 = arith.constant 13 : i32
      %eq3A_320 = vector.broadcast %eq3A_319 : i32 to vector<16xi32>
      %eq3A_321 = arith.cmpi eq, %iota3A, %eq3A_320 : vector<16xi32>
      %and3A_322 = arith.andi %lt3A_254, %eq3A_321 : vector<16xi1>
      %gather3A_323 = tpu.vector_load_idx %arg16[%div3A_246] masked %and3A_322 : memref<128xi32, #tpu.memory_space<vmem>>[vector<16xi32>], vector<16xi32>, vector<16xi1>
      tpu.vector_store_idx %arg10[%gather3A_323], %sub3A_250 masked %and3A_322 : memref<8192xi32, #tpu.memory_space<vmem>>[vector<16xi32>], vector<16xi32>, vector<16xi1>
      tpu.vector_store_idx %arg11[%gather3A_323], %get3A_243 masked %and3A_322 : memref<8192xf32, #tpu.memory_space<vmem>>[vector<16xi32>], vector<16xf32>, vector<16xi1>
      tpu.vector_store_idx %arg16[%div3A_246], %broadcast_in_dim3A_9 masked %and3A_322 {add = true} : memref<128xi32, #tpu.memory_space<vmem>>[vector<16xi32>], vector<16xi32>, vector<16xi1>
      %eq3A_324 = arith.constant 14 : i32
      %eq3A_325 = vector.broadcast %eq3A_324 : i32 to vector<16xi32>
      %eq3A_326 = arith.cmpi eq, %iota3A, %eq3A_325 : vector<16xi32>
      %and3A_327 = arith.andi %lt3A_254, %eq3A_326 : vector<16xi1>
      %gather3A_328 = tpu.vector_load_idx %arg16[%div3A_246] masked %and3A_327 : memref<128xi32, #tpu.memory_space<vmem>>[vector<16xi32>], vector<16xi32>, vector<16xi1>
      tpu.vector_store_idx %arg10[%gather3A_328], %sub3A_250 masked %and3A_327 : memref<8192xi32, #tpu.memory_space<vmem>>[vector<16xi32>], vector<16xi32>, vector<16xi1>
      tpu.vector_store_idx %arg11[%gather3A_328], %get3A_243 masked %and3A_327 : memref<8192xf32, #tpu.memory_space<vmem>>[vector<16xi32>], vector<16xf32>, vector<16xi1>
      tpu.vector_store_idx %arg16[%div3A_246], %broadcast_in_dim3A_9 masked %and3A_327 {add = true} : memref<128xi32, #tpu.memory_space<vmem>>[vector<16xi32>], vector<16xi32>, vector<16xi1>
      %eq3A_329 = arith.constant 15 : i32
      %eq3A_330 = vector.broadcast %eq3A_329 : i32 to vector<16xi32>
      %eq3A_331 = arith.cmpi eq, %iota3A, %eq3A_330 : vector<16xi32>
      %and3A_332 = arith.andi %lt3A_254, %eq3A_331 : vector<16xi1>
      %gather3A_333 = tpu.vector_load_idx %arg16[%div3A_246] masked %and3A_332 : memref<128xi32, #tpu.memory_space<vmem>>[vector<16xi32>], vector<16xi32>, vector<16xi1>
      tpu.vector_store_idx %arg10[%gather3A_333], %sub3A_250 masked %and3A_332 : memref<8192xi32, #tpu.memory_space<vmem>>[vector<16xi32>], vector<16xi32>, vector<16xi1>
      tpu.vector_store_idx %arg11[%gather3A_333], %get3A_243 masked %and3A_332 : memref<8192xf32, #tpu.memory_space<vmem>>[vector<16xi32>], vector<16xf32>, vector<16xi1>
      tpu.vector_store_idx %arg16[%div3A_246], %broadcast_in_dim3A_9 masked %and3A_332 {add = true} : memref<128xi32, #tpu.memory_space<vmem>>[vector<16xi32>], vector<16xi32>, vector<16xi1>
      %while3A_334 = arith.constant 0 : i32
      scf.yield %while3A_334 : i32
    }
    %while3A_98 = arith.constant 1 : i32
    %while3A_99 = scf.for %while3A_237 = %while3A_95 to %while3A_91 step %while3A_98 iter_args(%while3A_238 = %while3A_97) -> (i32)  : i32 {
      %mul3A_239 = arith.constant 16 : i32
      %mul3A_240 = arith.muli %while3A_237, %mul3A_239 : i32
      %get3A = arith.index_cast %mul3A_240 : i32 to index
      %get3A_241 = tpu.vector_load %arg12[%get3A] {strides = array<i32>} : memref<6416xi32, #tpu.memory_space<vmem>>, vector<16xi32>,
      %get3A_242 = arith.index_cast %mul3A_240 : i32 to index
      %get3A_243 = tpu.vector_load %arg13[%get3A_242] {strides = array<i32>} : memref<6416xf32, #tpu.memory_space<vmem>>, vector<16xf32>,
      %div3A_244 = arith.constant 32768 : i32
      %div3A_245 = vector.broadcast %div3A_244 : i32 to vector<16xi32>
      %div3A_246 = arith.divsi %get3A_241, %div3A_245 : vector<16xi32>
      %mul3A_247 = arith.constant 32768 : i32
      %mul3A_248 = vector.broadcast %mul3A_247 : i32 to vector<16xi32>
      %mul3A_249 = arith.muli %div3A_246, %mul3A_248 : vector<16xi32>
      %sub3A_250 = arith.subi %get3A_241, %mul3A_249 : vector<16xi32>
      %mul3A_251 = arith.constant 16 : i32
      %mul3A_252 = arith.muli %while3A_237, %mul3A_251 : i32
      %sub3A_253 = arith.subi %scan3A_32, %mul3A_252 : i32
      %lt3A = vector.broadcast %sub3A_253 : i32 to vector<16xi32>
      %lt3A_254 = arith.cmpi slt, %iota3A, %lt3A : vector<16xi32>
      %eq3A_255 = arith.constant 0 : i32
      %eq3A_256 = vector.broadcast %eq3A_255 : i32 to vector<16xi32>
      %eq3A_257 = arith.cmpi eq, %iota3A, %eq3A_256 : vector<16xi32>
      %and3A = arith.andi %lt3A_254, %eq3A_257 : vector<16xi1>
      %gather3A_258 = tpu.vector_load_idx %arg16[%div3A_246] masked %and3A : memref<128xi32, #tpu.memory_space<vmem>>[vector<16xi32>], vector<16xi32>, vector<16xi1>
      tpu.vector_store_idx %arg10[%gather3A_258], %sub3A_250 masked %and3A : memref<8192xi32, #tpu.memory_space<vmem>>[vector<16xi32>], vector<16xi32>, vector<16xi1>
      tpu.vector_store_idx %arg11[%gather3A_258], %get3A_243 masked %and3A : memref<8192xf32, #tpu.memory_space<vmem>>[vector<16xi32>], vector<16xf32>, vector<16xi1>
      tpu.vector_store_idx %arg16[%div3A_246], %broadcast_in_dim3A_9 masked %and3A {add = true} : memref<128xi32, #tpu.memory_space<vmem>>[vector<16xi32>], vector<16xi32>, vector<16xi1>
      %eq3A_259 = arith.constant 1 : i32
      %eq3A_260 = vector.broadcast %eq3A_259 : i32 to vector<16xi32>
      %eq3A_261 = arith.cmpi eq, %iota3A, %eq3A_260 : vector<16xi32>
      %and3A_262 = arith.andi %lt3A_254, %eq3A_261 : vector<16xi1>
      %gather3A_263 = tpu.vector_load_idx %arg16[%div3A_246] masked %and3A_262 : memref<128xi32, #tpu.memory_space<vmem>>[vector<16xi32>], vector<16xi32>, vector<16xi1>
      tpu.vector_store_idx %arg10[%gather3A_263], %sub3A_250 masked %and3A_262 : memref<8192xi32, #tpu.memory_space<vmem>>[vector<16xi32>], vector<16xi32>, vector<16xi1>
      tpu.vector_store_idx %arg11[%gather3A_263], %get3A_243 masked %and3A_262 : memref<8192xf32, #tpu.memory_space<vmem>>[vector<16xi32>], vector<16xf32>, vector<16xi1>
      tpu.vector_store_idx %arg16[%div3A_246], %broadcast_in_dim3A_9 masked %and3A_262 {add = true} : memref<128xi32, #tpu.memory_space<vmem>>[vector<16xi32>], vector<16xi32>, vector<16xi1>
      %eq3A_264 = arith.constant 2 : i32
      %eq3A_265 = vector.broadcast %eq3A_264 : i32 to vector<16xi32>
      %eq3A_266 = arith.cmpi eq, %iota3A, %eq3A_265 : vector<16xi32>
      %and3A_267 = arith.andi %lt3A_254, %eq3A_266 : vector<16xi1>
      %gather3A_268 = tpu.vector_load_idx %arg16[%div3A_246] masked %and3A_267 : memref<128xi32, #tpu.memory_space<vmem>>[vector<16xi32>], vector<16xi32>, vector<16xi1>
      tpu.vector_store_idx %arg10[%gather3A_268], %sub3A_250 masked %and3A_267 : memref<8192xi32, #tpu.memory_space<vmem>>[vector<16xi32>], vector<16xi32>, vector<16xi1>
      tpu.vector_store_idx %arg11[%gather3A_268], %get3A_243 masked %and3A_267 : memref<8192xf32, #tpu.memory_space<vmem>>[vector<16xi32>], vector<16xf32>, vector<16xi1>
      tpu.vector_store_idx %arg16[%div3A_246], %broadcast_in_dim3A_9 masked %and3A_267 {add = true} : memref<128xi32, #tpu.memory_space<vmem>>[vector<16xi32>], vector<16xi32>, vector<16xi1>
      %eq3A_269 = arith.constant 3 : i32
      %eq3A_270 = vector.broadcast %eq3A_269 : i32 to vector<16xi32>
      %eq3A_271 = arith.cmpi eq, %iota3A, %eq3A_270 : vector<16xi32>
      %and3A_272 = arith.andi %lt3A_254, %eq3A_271 : vector<16xi1>
      %gather3A_273 = tpu.vector_load_idx %arg16[%div3A_246] masked %and3A_272 : memref<128xi32, #tpu.memory_space<vmem>>[vector<16xi32>], vector<16xi32>, vector<16xi1>
      tpu.vector_store_idx %arg10[%gather3A_273], %sub3A_250 masked %and3A_272 : memref<8192xi32, #tpu.memory_space<vmem>>[vector<16xi32>], vector<16xi32>, vector<16xi1>
      tpu.vector_store_idx %arg11[%gather3A_273], %get3A_243 masked %and3A_272 : memref<8192xf32, #tpu.memory_space<vmem>>[vector<16xi32>], vector<16xf32>, vector<16xi1>
      tpu.vector_store_idx %arg16[%div3A_246], %broadcast_in_dim3A_9 masked %and3A_272 {add = true} : memref<128xi32, #tpu.memory_space<vmem>>[vector<16xi32>], vector<16xi32>, vector<16xi1>
      %eq3A_274 = arith.constant 4 : i32
      %eq3A_275 = vector.broadcast %eq3A_274 : i32 to vector<16xi32>
      %eq3A_276 = arith.cmpi eq, %iota3A, %eq3A_275 : vector<16xi32>
      %and3A_277 = arith.andi %lt3A_254, %eq3A_276 : vector<16xi1>
      %gather3A_278 = tpu.vector_load_idx %arg16[%div3A_246] masked %and3A_277 : memref<128xi32, #tpu.memory_space<vmem>>[vector<16xi32>], vector<16xi32>, vector<16xi1>
      tpu.vector_store_idx %arg10[%gather3A_278], %sub3A_250 masked %and3A_277 : memref<8192xi32, #tpu.memory_space<vmem>>[vector<16xi32>], vector<16xi32>, vector<16xi1>
      tpu.vector_store_idx %arg11[%gather3A_278], %get3A_243 masked %and3A_277 : memref<8192xf32, #tpu.memory_space<vmem>>[vector<16xi32>], vector<16xf32>, vector<16xi1>
      tpu.vector_store_idx %arg16[%div3A_246], %broadcast_in_dim3A_9 masked %and3A_277 {add = true} : memref<128xi32, #tpu.memory_space<vmem>>[vector<16xi32>], vector<16xi32>, vector<16xi1>
      %eq3A_279 = arith.constant 5 : i32
      %eq3A_280 = vector.broadcast %eq3A_279 : i32 to vector<16xi32>
      %eq3A_281 = arith.cmpi eq, %iota3A, %eq3A_280 : vector<16xi32>
      %and3A_282 = arith.andi %lt3A_254, %eq3A_281 : vector<16xi1>
      %gather3A_283 = tpu.vector_load_idx %arg16[%div3A_246] masked %and3A_282 : memref<128xi32, #tpu.memory_space<vmem>>[vector<16xi32>], vector<16xi32>, vector<16xi1>
      tpu.vector_store_idx %arg10[%gather3A_283], %sub3A_250 masked %and3A_282 : memref<8192xi32, #tpu.memory_space<vmem>>[vector<16xi32>], vector<16xi32>, vector<16xi1>
      tpu.vector_store_idx %arg11[%gather3A_283], %get3A_243 masked %and3A_282 : memref<8192xf32, #tpu.memory_space<vmem>>[vector<16xi32>], vector<16xf32>, vector<16xi1>
      tpu.vector_store_idx %arg16[%div3A_246], %broadcast_in_dim3A_9 masked %and3A_282 {add = true} : memref<128xi32, #tpu.memory_space<vmem>>[vector<16xi32>], vector<16xi32>, vector<16xi1>
      %eq3A_284 = arith.constant 6 : i32
      %eq3A_285 = vector.broadcast %eq3A_284 : i32 to vector<16xi32>
      %eq3A_286 = arith.cmpi eq, %iota3A, %eq3A_285 : vector<16xi32>
      %and3A_287 = arith.andi %lt3A_254, %eq3A_286 : vector<16xi1>
      %gather3A_288 = tpu.vector_load_idx %arg16[%div3A_246] masked %and3A_287 : memref<128xi32, #tpu.memory_space<vmem>>[vector<16xi32>], vector<16xi32>, vector<16xi1>
      tpu.vector_store_idx %arg10[%gather3A_288], %sub3A_250 masked %and3A_287 : memref<8192xi32, #tpu.memory_space<vmem>>[vector<16xi32>], vector<16xi32>, vector<16xi1>
      tpu.vector_store_idx %arg11[%gather3A_288], %get3A_243 masked %and3A_287 : memref<8192xf32, #tpu.memory_space<vmem>>[vector<16xi32>], vector<16xf32>, vector<16xi1>
      tpu.vector_store_idx %arg16[%div3A_246], %broadcast_in_dim3A_9 masked %and3A_287 {add = true} : memref<128xi32, #tpu.memory_space<vmem>>[vector<16xi32>], vector<16xi32>, vector<16xi1>
      %eq3A_289 = arith.constant 7 : i32
      %eq3A_290 = vector.broadcast %eq3A_289 : i32 to vector<16xi32>
      %eq3A_291 = arith.cmpi eq, %iota3A, %eq3A_290 : vector<16xi32>
      %and3A_292 = arith.andi %lt3A_254, %eq3A_291 : vector<16xi1>
      %gather3A_293 = tpu.vector_load_idx %arg16[%div3A_246] masked %and3A_292 : memref<128xi32, #tpu.memory_space<vmem>>[vector<16xi32>], vector<16xi32>, vector<16xi1>
      tpu.vector_store_idx %arg10[%gather3A_293], %sub3A_250 masked %and3A_292 : memref<8192xi32, #tpu.memory_space<vmem>>[vector<16xi32>], vector<16xi32>, vector<16xi1>
      tpu.vector_store_idx %arg11[%gather3A_293], %get3A_243 masked %and3A_292 : memref<8192xf32, #tpu.memory_space<vmem>>[vector<16xi32>], vector<16xf32>, vector<16xi1>
      tpu.vector_store_idx %arg16[%div3A_246], %broadcast_in_dim3A_9 masked %and3A_292 {add = true} : memref<128xi32, #tpu.memory_space<vmem>>[vector<16xi32>], vector<16xi32>, vector<16xi1>
      %eq3A_294 = arith.constant 8 : i32
      %eq3A_295 = vector.broadcast %eq3A_294 : i32 to vector<16xi32>
      %eq3A_296 = arith.cmpi eq, %iota3A, %eq3A_295 : vector<16xi32>
      %and3A_297 = arith.andi %lt3A_254, %eq3A_296 : vector<16xi1>
      %gather3A_298 = tpu.vector_load_idx %arg16[%div3A_246] masked %and3A_297 : memref<128xi32, #tpu.memory_space<vmem>>[vector<16xi32>], vector<16xi32>, vector<16xi1>
      tpu.vector_store_idx %arg10[%gather3A_298], %sub3A_250 masked %and3A_297 : memref<8192xi32, #tpu.memory_space<vmem>>[vector<16xi32>], vector<16xi32>, vector<16xi1>
      tpu.vector_store_idx %arg11[%gather3A_298], %get3A_243 masked %and3A_297 : memref<8192xf32, #tpu.memory_space<vmem>>[vector<16xi32>], vector<16xf32>, vector<16xi1>
      tpu.vector_store_idx %arg16[%div3A_246], %broadcast_in_dim3A_9 masked %and3A_297 {add = true} : memref<128xi32, #tpu.memory_space<vmem>>[vector<16xi32>], vector<16xi32>, vector<16xi1>
      %eq3A_299 = arith.constant 9 : i32
      %eq3A_300 = vector.broadcast %eq3A_299 : i32 to vector<16xi32>
      %eq3A_301 = arith.cmpi eq, %iota3A, %eq3A_300 : vector<16xi32>
      %and3A_302 = arith.andi %lt3A_254, %eq3A_301 : vector<16xi1>
      %gather3A_303 = tpu.vector_load_idx %arg16[%div3A_246] masked %and3A_302 : memref<128xi32, #tpu.memory_space<vmem>>[vector<16xi32>], vector<16xi32>, vector<16xi1>
      tpu.vector_store_idx %arg10[%gather3A_303], %sub3A_250 masked %and3A_302 : memref<8192xi32, #tpu.memory_space<vmem>>[vector<16xi32>], vector<16xi32>, vector<16xi1>
      tpu.vector_store_idx %arg11[%gather3A_303], %get3A_243 masked %and3A_302 : memref<8192xf32, #tpu.memory_space<vmem>>[vector<16xi32>], vector<16xf32>, vector<16xi1>
      tpu.vector_store_idx %arg16[%div3A_246], %broadcast_in_dim3A_9 masked %and3A_302 {add = true} : memref<128xi32, #tpu.memory_space<vmem>>[vector<16xi32>], vector<16xi32>, vector<16xi1>
      %eq3A_304 = arith.constant 10 : i32
      %eq3A_305 = vector.broadcast %eq3A_304 : i32 to vector<16xi32>
      %eq3A_306 = arith.cmpi eq, %iota3A, %eq3A_305 : vector<16xi32>
      %and3A_307 = arith.andi %lt3A_254, %eq3A_306 : vector<16xi1>
      %gather3A_308 = tpu.vector_load_idx %arg16[%div3A_246] masked %and3A_307 : memref<128xi32, #tpu.memory_space<vmem>>[vector<16xi32>], vector<16xi32>, vector<16xi1>
      tpu.vector_store_idx %arg10[%gather3A_308], %sub3A_250 masked %and3A_307 : memref<8192xi32, #tpu.memory_space<vmem>>[vector<16xi32>], vector<16xi32>, vector<16xi1>
      tpu.vector_store_idx %arg11[%gather3A_308], %get3A_243 masked %and3A_307 : memref<8192xf32, #tpu.memory_space<vmem>>[vector<16xi32>], vector<16xf32>, vector<16xi1>
      tpu.vector_store_idx %arg16[%div3A_246], %broadcast_in_dim3A_9 masked %and3A_307 {add = true} : memref<128xi32, #tpu.memory_space<vmem>>[vector<16xi32>], vector<16xi32>, vector<16xi1>
      %eq3A_309 = arith.constant 11 : i32
      %eq3A_310 = vector.broadcast %eq3A_309 : i32 to vector<16xi32>
      %eq3A_311 = arith.cmpi eq, %iota3A, %eq3A_310 : vector<16xi32>
      %and3A_312 = arith.andi %lt3A_254, %eq3A_311 : vector<16xi1>
      %gather3A_313 = tpu.vector_load_idx %arg16[%div3A_246] masked %and3A_312 : memref<128xi32, #tpu.memory_space<vmem>>[vector<16xi32>], vector<16xi32>, vector<16xi1>
      tpu.vector_store_idx %arg10[%gather3A_313], %sub3A_250 masked %and3A_312 : memref<8192xi32, #tpu.memory_space<vmem>>[vector<16xi32>], vector<16xi32>, vector<16xi1>
      tpu.vector_store_idx %arg11[%gather3A_313], %get3A_243 masked %and3A_312 : memref<8192xf32, #tpu.memory_space<vmem>>[vector<16xi32>], vector<16xf32>, vector<16xi1>
      tpu.vector_store_idx %arg16[%div3A_246], %broadcast_in_dim3A_9 masked %and3A_312 {add = true} : memref<128xi32, #tpu.memory_space<vmem>>[vector<16xi32>], vector<16xi32>, vector<16xi1>
      %eq3A_314 = arith.constant 12 : i32
      %eq3A_315 = vector.broadcast %eq3A_314 : i32 to vector<16xi32>
      %eq3A_316 = arith.cmpi eq, %iota3A, %eq3A_315 : vector<16xi32>
      %and3A_317 = arith.andi %lt3A_254, %eq3A_316 : vector<16xi1>
      %gather3A_318 = tpu.vector_load_idx %arg16[%div3A_246] masked %and3A_317 : memref<128xi32, #tpu.memory_space<vmem>>[vector<16xi32>], vector<16xi32>, vector<16xi1>
      tpu.vector_store_idx %arg10[%gather3A_318], %sub3A_250 masked %and3A_317 : memref<8192xi32, #tpu.memory_space<vmem>>[vector<16xi32>], vector<16xi32>, vector<16xi1>
      tpu.vector_store_idx %arg11[%gather3A_318], %get3A_243 masked %and3A_317 : memref<8192xf32, #tpu.memory_space<vmem>>[vector<16xi32>], vector<16xf32>, vector<16xi1>
      tpu.vector_store_idx %arg16[%div3A_246], %broadcast_in_dim3A_9 masked %and3A_317 {add = true} : memref<128xi32, #tpu.memory_space<vmem>>[vector<16xi32>], vector<16xi32>, vector<16xi1>
      %eq3A_319 = arith.constant 13 : i32
      %eq3A_320 = vector.broadcast %eq3A_319 : i32 to vector<16xi32>
      %eq3A_321 = arith.cmpi eq, %iota3A, %eq3A_320 : vector<16xi32>
      %and3A_322 = arith.andi %lt3A_254, %eq3A_321 : vector<16xi1>
      %gather3A_323 = tpu.vector_load_idx %arg16[%div3A_246] masked %and3A_322 : memref<128xi32, #tpu.memory_space<vmem>>[vector<16xi32>], vector<16xi32>, vector<16xi1>
      tpu.vector_store_idx %arg10[%gather3A_323], %sub3A_250 masked %and3A_322 : memref<8192xi32, #tpu.memory_space<vmem>>[vector<16xi32>], vector<16xi32>, vector<16xi1>
      tpu.vector_store_idx %arg11[%gather3A_323], %get3A_243 masked %and3A_322 : memref<8192xf32, #tpu.memory_space<vmem>>[vector<16xi32>], vector<16xf32>, vector<16xi1>
      tpu.vector_store_idx %arg16[%div3A_246], %broadcast_in_dim3A_9 masked %and3A_322 {add = true} : memref<128xi32, #tpu.memory_space<vmem>>[vector<16xi32>], vector<16xi32>, vector<16xi1>
      %eq3A_324 = arith.constant 14 : i32
      %eq3A_325 = vector.broadcast %eq3A_324 : i32 to vector<16xi32>
      %eq3A_326 = arith.cmpi eq, %iota3A, %eq3A_325 : vector<16xi32>
      %and3A_327 = arith.andi %lt3A_254, %eq3A_326 : vector<16xi1>
      %gather3A_328 = tpu.vector_load_idx %arg16[%div3A_246] masked %and3A_327 : memref<128xi32, #tpu.memory_space<vmem>>[vector<16xi32>], vector<16xi32>, vector<16xi1>
      tpu.vector_store_idx %arg10[%gather3A_328], %sub3A_250 masked %and3A_327 : memref<8192xi32, #tpu.memory_space<vmem>>[vector<16xi32>], vector<16xi32>, vector<16xi1>
      tpu.vector_store_idx %arg11[%gather3A_328], %get3A_243 masked %and3A_327 : memref<8192xf32, #tpu.memory_space<vmem>>[vector<16xi32>], vector<16xf32>, vector<16xi1>
      tpu.vector_store_idx %arg16[%div3A_246], %broadcast_in_dim3A_9 masked %and3A_327 {add = true} : memref<128xi32, #tpu.memory_space<vmem>>[vector<16xi32>], vector<16xi32>, vector<16xi1>
      %eq3A_329 = arith.constant 15 : i32
      %eq3A_330 = vector.broadcast %eq3A_329 : i32 to vector<16xi32>
      %eq3A_331 = arith.cmpi eq, %iota3A, %eq3A_330 : vector<16xi32>
      %and3A_332 = arith.andi %lt3A_254, %eq3A_331 : vector<16xi1>
      %gather3A_333 = tpu.vector_load_idx %arg16[%div3A_246] masked %and3A_332 : memref<128xi32, #tpu.memory_space<vmem>>[vector<16xi32>], vector<16xi32>, vector<16xi1>
      tpu.vector_store_idx %arg10[%gather3A_333], %sub3A_250 masked %and3A_332 : memref<8192xi32, #tpu.memory_space<vmem>>[vector<16xi32>], vector<16xi32>, vector<16xi1>
      tpu.vector_store_idx %arg11[%gather3A_333], %get3A_243 masked %and3A_332 : memref<8192xf32, #tpu.memory_space<vmem>>[vector<16xi32>], vector<16xf32>, vector<16xi1>
      tpu.vector_store_idx %arg16[%div3A_246], %broadcast_in_dim3A_9 masked %and3A_332 {add = true} : memref<128xi32, #tpu.memory_space<vmem>>[vector<16xi32>], vector<16xi32>, vector<16xi1>
      %while3A_334 = arith.constant 0 : i32
      scf.yield %while3A_334 : i32
    }
    %scan3A_100 = arith.constant 0 : i32
    %scan3A_101 = arith.constant 0 : i32
    %scan3A_102 = arith.constant 32 : i32
    %scan3A_103 = arith.addi %scan3A_101, %scan3A_102 : i32
    %scan3A_104 = arith.constant 1 : i32
    %scan3A_105 = scf.for %scan3A_237 = %scan3A_101 to %scan3A_103 step %scan3A_104 iter_args(%scan3A_238 = %scan3A_100) -> (i32)  : i32 {
      %mul3A_239 = arith.constant 3 : i32
      %mul3A_240 = arith.muli %scan3A_237, %mul3A_239 : i32
      %mul3A_241 = arith.constant 256 : i32
      %mul3A_242 = arith.muli %mul3A_240, %mul3A_241 : i32
      %add3A_243 = arith.addi %mul3A_4, %mul3A_242 : i32
      %multiple_of3A_244 = tpu.assume_multiple %add3A_243, 8 : i32
      %dma_wait3A_245 = arith.constant 0 : i32
      %dma_wait3A_246 = arith.constant 0 : i32
      %dma_wait3A_247 = tpu.memref_slice %arg7[%dma_wait3A_245, %dma_wait3A_246] : memref<256x128xf32, #tpu.memory_space<vmem>> -> memref<256x128xf32, #tpu.memory_space<vmem>>
      %dma_wait3A_248 = tpu.memref_slice %arg2[%multiple_of3A_244, %multiple_of3A] : memref<100000x1024xf32, #tpu.memory_space<hbm>> -> memref<256x128xf32, #tpu.memory_space<hbm>>
      %dma_wait3A_249 = arith.constant 0 : i32
      %dma_wait3A_250 = arith.constant 0 : i32
      %dma_wait3A_251 = tpu.memref_slice %arg7[%dma_wait3A_249, %dma_wait3A_250] : memref<256x128xf32, #tpu.memory_space<vmem>> -> memref<256x128xf32, #tpu.memory_space<vmem>>
      %dma_wait3A_252 = tpu.memref_slice %arg2[%multiple_of3A_244, %multiple_of3A] : memref<100000x1024xf32, #tpu.memory_space<hbm>> -> memref<256x128xf32, #tpu.memory_space<hbm>>
      tpu.wait_dma2 semaphore(%arg17 : memref<!tpu.dma_semaphore, #tpu.memory_space<semaphore_mem>>) src(%dma_wait3A_252 : memref<256x128xf32, #tpu.memory_space<hbm>>) dst(%dma_wait3A_251 : memref<256x128xf32, #tpu.memory_space<vmem>>)
      %rem3A_253 = arith.constant 128 : i32
      %rem3A_254 = arith.remsi %mul3A_240, %rem3A_253 : i32
      %broadcast_in_dim3A_255 = vector.broadcast %rem3A_254 : i32 to vector<16xi32>
      %gather3A_256 = tpu.vector_load_idx %arg15[%broadcast_in_dim3A_255] : memref<128xi32, #tpu.memory_space<vmem>>[vector<16xi32>], vector<16xi32>,
      %reduce_max3A_257 = arith.constant true
      %reduce_max3A_258 = vector.broadcast %reduce_max3A_257 : i1 to vector<16xi1>
      %reduce_max3A_259 = arith.constant -2147483648 : i32
      %reduce_max3A_260 = vector.broadcast %reduce_max3A_259 : i32 to vector<16xi32>
      %reduce_max3A_261 = arith.xori %gather3A_256, %reduce_max3A_260 : vector<16xi32>
      %reduce_max3A_262 = tpu.scan <max>, %reduce_max3A_261 masked %reduce_max3A_258 : vector<16xi32>, vector<16xi1> -> vector<16xi32>
      %reduce_max3A_263 = arith.xori %reduce_max3A_262, %reduce_max3A_260 : vector<16xi32>
      %reduce_max3A_264 = vector.extract %reduce_max3A_263[15] : i32 from vector<16xi32>
      %while3A_265 = arith.constant 0 : i32
      %while3A_266 = arith.constant 0 : i32
      %while3A_267 = arith.subi %reduce_max3A_264, %while3A_265 : i32
      %while3A_268 = arith.addi %while3A_265, %while3A_267 : i32
      %while3A_269 = arith.constant 1 : i32
      %while3A_270 = arith.divsi %while3A_267, %while3A_269 : i32
      %while3A_271 = arith.muli %while3A_270, %while3A_269 : i32
      %while3A_272 = arith.addi %while3A_265, %while3A_271 : i32
      %while3A_273 = arith.constant 1 : i32
      %while3A_274 = scf.for %while3A_432 = %while3A_265 to %while3A_272 step %while3A_273 iter_args(%while3A_433 = %while3A_266) -> (i32)  : i32 {
        %add3A_434 = arith.addi %scan3A_238, %while3A_432 : i32
        %broadcast_in_dim3A_435 = vector.broadcast %add3A_434 : i32 to vector<16xi32>
        %gather3A_436 = tpu.vector_load_idx %arg10[%broadcast_in_dim3A_435] : memref<8192xi32, #tpu.memory_space<vmem>>[vector<16xi32>], vector<16xi32>,
        %gather3A_437 = tpu.vector_load_idx %arg11[%broadcast_in_dim3A_435] : memref<8192xf32, #tpu.memory_space<vmem>>[vector<16xi32>], vector<16xf32>,
        %div3A_438 = arith.constant 128 : i32
        %div3A_439 = vector.broadcast %div3A_438 : i32 to vector<16xi32>
        %div3A_440 = arith.divsi %gather3A_436, %div3A_439 : vector<16xi32>
        %mul3A_441 = arith.constant 128 : i32
        %mul3A_442 = vector.broadcast %mul3A_441 : i32 to vector<16xi32>
        %mul3A_443 = arith.muli %div3A_440, %mul3A_442 : vector<16xi32>
        %sub3A_444 = arith.subi %gather3A_436, %mul3A_443 : vector<16xi32>
        tpu.vector_store_idx %arg7[%div3A_440, %sub3A_444], %gather3A_437 masked %eq3A_8 {add = true} : memref<256x128xf32, #tpu.memory_space<vmem>>[vector<16xi32>, vector<16xi32>], vector<16xf32>, vector<16xi1>
        %while3A_445 = arith.constant 0 : i32
        scf.yield %while3A_445 : i32
      }
      %while3A_275 = arith.constant 1 : i32
      %while3A_276 = scf.for %while3A_432 = %while3A_272 to %while3A_268 step %while3A_275 iter_args(%while3A_433 = %while3A_274) -> (i32)  : i32 {
        %add3A_434 = arith.addi %scan3A_238, %while3A_432 : i32
        %broadcast_in_dim3A_435 = vector.broadcast %add3A_434 : i32 to vector<16xi32>
        %gather3A_436 = tpu.vector_load_idx %arg10[%broadcast_in_dim3A_435] : memref<8192xi32, #tpu.memory_space<vmem>>[vector<16xi32>], vector<16xi32>,
        %gather3A_437 = tpu.vector_load_idx %arg11[%broadcast_in_dim3A_435] : memref<8192xf32, #tpu.memory_space<vmem>>[vector<16xi32>], vector<16xf32>,
        %div3A_438 = arith.constant 128 : i32
        %div3A_439 = vector.broadcast %div3A_438 : i32 to vector<16xi32>
        %div3A_440 = arith.divsi %gather3A_436, %div3A_439 : vector<16xi32>
        %mul3A_441 = arith.constant 128 : i32
        %mul3A_442 = vector.broadcast %mul3A_441 : i32 to vector<16xi32>
        %mul3A_443 = arith.muli %div3A_440, %mul3A_442 : vector<16xi32>
        %sub3A_444 = arith.subi %gather3A_436, %mul3A_443 : vector<16xi32>
        tpu.vector_store_idx %arg7[%div3A_440, %sub3A_444], %gather3A_437 masked %eq3A_8 {add = true} : memref<256x128xf32, #tpu.memory_space<vmem>>[vector<16xi32>, vector<16xi32>], vector<16xf32>, vector<16xi1>
        %while3A_445 = arith.constant 0 : i32
        scf.yield %while3A_445 : i32
      }
      %mul3A_277 = arith.constant 256 : i32
      %mul3A_278 = arith.muli %mul3A_240, %mul3A_277 : i32
      %add3A_279 = arith.addi %mul3A_4, %mul3A_278 : i32
      %multiple_of3A_280 = tpu.assume_multiple %add3A_279, 8 : i32
      %dma_start3A_281 = arith.constant 0 : i32
      %dma_start3A_282 = arith.constant 0 : i32
      %dma_start3A_283 = tpu.memref_slice %arg7[%dma_start3A_281, %dma_start3A_282] : memref<256x128xf32, #tpu.memory_space<vmem>> -> memref<256x128xf32, #tpu.memory_space<vmem>>
      %dma_start3A_284 = tpu.memref_slice %arg6[%multiple_of3A_280, %multiple_of3A] : memref<100000x1024xf32, #tpu.memory_space<hbm>> -> memref<256x128xf32, #tpu.memory_space<hbm>>
      %dma_start3A_285 = tpu.memref_slice %arg6[%multiple_of3A_280, %multiple_of3A] : memref<100000x1024xf32, #tpu.memory_space<hbm>> -> memref<256x128xf32, #tpu.memory_space<hbm>>
      %dma_start3A_286 = arith.constant 0 : i32
      %dma_start3A_287 = arith.constant 0 : i32
      %dma_start3A_288 = tpu.memref_slice %arg7[%dma_start3A_286, %dma_start3A_287] : memref<256x128xf32, #tpu.memory_space<vmem>> -> memref<256x128xf32, #tpu.memory_space<vmem>>
      tpu.enqueue_dma source(%dma_start3A_288 : memref<256x128xf32, #tpu.memory_space<vmem>>) target(%dma_start3A_285 : memref<256x128xf32, #tpu.memory_space<hbm>>) target_semaphore(%arg20 : memref<!tpu.dma_semaphore, #tpu.memory_space<semaphore_mem>>)
      %ge3A = arith.constant 2 : i32
      %ge3A_289 = arith.cmpi sge, %mul3A_240, %ge3A : i32
      %convert_element_type3A = arith.extui %ge3A_289 : i1 to i32
      %cond3A = arith.constant 0 : i32
      %cond3A_290 = arith.cmpi ne, %convert_element_type3A, %cond3A : i32
      scf.if %cond3A_290 {
        %sub3A_432 = arith.constant 2 : i32
        %sub3A_433 = arith.subi %mul3A_240, %sub3A_432 : i32
        %mul3A_434 = arith.constant 256 : i32
        %mul3A_435 = arith.muli %sub3A_433, %mul3A_434 : i32
        %add3A_436 = arith.addi %mul3A_4, %mul3A_435 : i32
        %multiple_of3A_437 = tpu.assume_multiple %add3A_436, 8 : i32
        %dma_wait3A_438 = tpu.memref_slice %arg6[%multiple_of3A_437, %multiple_of3A] : memref<100000x1024xf32, #tpu.memory_space<hbm>> -> memref<256x128xf32, #tpu.memory_space<hbm>>
        %dma_wait3A_439 = tpu.memref_slice %arg6[%multiple_of3A_437, %multiple_of3A] : memref<100000x1024xf32, #tpu.memory_space<hbm>> -> memref<256x128xf32, #tpu.memory_space<hbm>>
        tpu.wait_dma2 semaphore(%arg21 : memref<!tpu.dma_semaphore, #tpu.memory_space<semaphore_mem>>) src(%arg8 : memref<256x128xf32, #tpu.memory_space<vmem>>) dst(%dma_wait3A_439 : memref<256x128xf32, #tpu.memory_space<hbm>>)
      } else {
      }
      %ge3A_291 = arith.constant 2 : i32
      %ge3A_292 = arith.cmpi sge, %mul3A_240, %ge3A_291 : i32
      %add3A_293 = arith.constant 1 : i32
      %add3A_294 = arith.addi %mul3A_240, %add3A_293 : i32
      %lt3A = arith.constant 97 : i32
      %lt3A_295 = arith.cmpi slt, %add3A_294, %lt3A : i32
      %and3A = arith.andi %ge3A_292, %lt3A_295 : i1
      %convert_element_type3A_296 = arith.extui %and3A : i1 to i32
      %cond3A_297 = arith.constant 0 : i32
      %cond3A_298 = arith.cmpi ne, %convert_element_type3A_296, %cond3A_297 : i32
      scf.if %cond3A_298 {
        %add3A_432 = arith.constant 1 : i32
        %add3A_433 = arith.addi %mul3A_240, %add3A_432 : i32
        %mul3A_434 = arith.constant 256 : i32
        %mul3A_435 = arith.muli %add3A_433, %mul3A_434 : i32
        %add3A_436 = arith.addi %mul3A_4, %mul3A_435 : i32
        %multiple_of3A_437 = tpu.assume_multiple %add3A_436, 8 : i32
        %dma_start3A_438 = tpu.memref_slice %arg2[%multiple_of3A_437, %multiple_of3A] : memref<100000x1024xf32, #tpu.memory_space<hbm>> -> memref<256x128xf32, #tpu.memory_space<hbm>>
        %dma_start3A_439 = tpu.memref_slice %arg2[%multiple_of3A_437, %multiple_of3A] : memref<100000x1024xf32, #tpu.memory_space<hbm>> -> memref<256x128xf32, #tpu.memory_space<hbm>>
        tpu.enqueue_dma source(%dma_start3A_439 : memref<256x128xf32, #tpu.memory_space<hbm>>) target(%arg8 : memref<256x128xf32, #tpu.memory_space<vmem>>) target_semaphore(%arg18 : memref<!tpu.dma_semaphore, #tpu.memory_space<semaphore_mem>>)
      } else {
      }
      %add3A_299 = arith.addi %scan3A_238, %reduce_max3A_264 : i32
      %add3A_300 = arith.constant 1 : i32
      %add3A_301 = arith.addi %mul3A_240, %add3A_300 : i32
      %mul3A_302 = arith.constant 256 : i32
      %mul3A_303 = arith.muli %add3A_301, %mul3A_302 : i32
      %add3A_304 = arith.addi %mul3A_4, %mul3A_303 : i32
      %multiple_of3A_305 = tpu.assume_multiple %add3A_304, 8 : i32
      %dma_wait3A_306 = arith.constant 0 : i32
      %dma_wait3A_307 = arith.constant 0 : i32
      %dma_wait3A_308 = tpu.memref_slice %arg8[%dma_wait3A_306, %dma_wait3A_307] : memref<256x128xf32, #tpu.memory_space<vmem>> -> memref<256x128xf32, #tpu.memory_space<vmem>>
      %dma_wait3A_309 = tpu.memref_slice %arg2[%multiple_of3A_305, %multiple_of3A] : memref<100000x1024xf32, #tpu.memory_space<hbm>> -> memref<256x128xf32, #tpu.memory_space<hbm>>
      %dma_wait3A_310 = arith.constant 0 : i32
      %dma_wait3A_311 = arith.constant 0 : i32
      %dma_wait3A_312 = tpu.memref_slice %arg8[%dma_wait3A_310, %dma_wait3A_311] : memref<256x128xf32, #tpu.memory_space<vmem>> -> memref<256x128xf32, #tpu.memory_space<vmem>>
      %dma_wait3A_313 = tpu.memref_slice %arg2[%multiple_of3A_305, %multiple_of3A] : memref<100000x1024xf32, #tpu.memory_space<hbm>> -> memref<256x128xf32, #tpu.memory_space<hbm>>
      tpu.wait_dma2 semaphore(%arg18 : memref<!tpu.dma_semaphore, #tpu.memory_space<semaphore_mem>>) src(%dma_wait3A_313 : memref<256x128xf32, #tpu.memory_space<hbm>>) dst(%dma_wait3A_312 : memref<256x128xf32, #tpu.memory_space<vmem>>)
      %rem3A_314 = arith.constant 128 : i32
      %rem3A_315 = arith.remsi %add3A_301, %rem3A_314 : i32
      %broadcast_in_dim3A_316 = vector.broadcast %rem3A_315 : i32 to vector<16xi32>
      %gather3A_317 = tpu.vector_load_idx %arg15[%broadcast_in_dim3A_316] : memref<128xi32, #tpu.memory_space<vmem>>[vector<16xi32>], vector<16xi32>,
      %reduce_max3A_318 = arith.constant true
      %reduce_max3A_319 = vector.broadcast %reduce_max3A_318 : i1 to vector<16xi1>
      %reduce_max3A_320 = arith.constant -2147483648 : i32
      %reduce_max3A_321 = vector.broadcast %reduce_max3A_320 : i32 to vector<16xi32>
      %reduce_max3A_322 = arith.xori %gather3A_317, %reduce_max3A_321 : vector<16xi32>
      %reduce_max3A_323 = tpu.scan <max>, %reduce_max3A_322 masked %reduce_max3A_319 : vector<16xi32>, vector<16xi1> -> vector<16xi32>
      %reduce_max3A_324 = arith.xori %reduce_max3A_323, %reduce_max3A_321 : vector<16xi32>
      %reduce_max3A_325 = vector.extract %reduce_max3A_324[15] : i32 from vector<16xi32>
      %while3A_326 = arith.constant 0 : i32
      %while3A_327 = arith.constant 0 : i32
      %while3A_328 = arith.subi %reduce_max3A_325, %while3A_326 : i32
      %while3A_329 = arith.addi %while3A_326, %while3A_328 : i32
      %while3A_330 = arith.constant 1 : i32
      %while3A_331 = arith.divsi %while3A_328, %while3A_330 : i32
      %while3A_332 = arith.muli %while3A_331, %while3A_330 : i32
      %while3A_333 = arith.addi %while3A_326, %while3A_332 : i32
      %while3A_334 = arith.constant 1 : i32
      %while3A_335 = scf.for %while3A_432 = %while3A_326 to %while3A_333 step %while3A_334 iter_args(%while3A_433 = %while3A_327) -> (i32)  : i32 {
        %add3A_434 = arith.addi %add3A_299, %while3A_432 : i32
        %broadcast_in_dim3A_435 = vector.broadcast %add3A_434 : i32 to vector<16xi32>
        %gather3A_436 = tpu.vector_load_idx %arg10[%broadcast_in_dim3A_435] : memref<8192xi32, #tpu.memory_space<vmem>>[vector<16xi32>], vector<16xi32>,
        %gather3A_437 = tpu.vector_load_idx %arg11[%broadcast_in_dim3A_435] : memref<8192xf32, #tpu.memory_space<vmem>>[vector<16xi32>], vector<16xf32>,
        %div3A_438 = arith.constant 128 : i32
        %div3A_439 = vector.broadcast %div3A_438 : i32 to vector<16xi32>
        %div3A_440 = arith.divsi %gather3A_436, %div3A_439 : vector<16xi32>
        %mul3A_441 = arith.constant 128 : i32
        %mul3A_442 = vector.broadcast %mul3A_441 : i32 to vector<16xi32>
        %mul3A_443 = arith.muli %div3A_440, %mul3A_442 : vector<16xi32>
        %sub3A_444 = arith.subi %gather3A_436, %mul3A_443 : vector<16xi32>
        tpu.vector_store_idx %arg8[%div3A_440, %sub3A_444], %gather3A_437 masked %eq3A_8 {add = true} : memref<256x128xf32, #tpu.memory_space<vmem>>[vector<16xi32>, vector<16xi32>], vector<16xf32>, vector<16xi1>
        %while3A_445 = arith.constant 0 : i32
        scf.yield %while3A_445 : i32
      }
      %while3A_336 = arith.constant 1 : i32
      %while3A_337 = scf.for %while3A_432 = %while3A_333 to %while3A_329 step %while3A_336 iter_args(%while3A_433 = %while3A_335) -> (i32)  : i32 {
        %add3A_434 = arith.addi %add3A_299, %while3A_432 : i32
        %broadcast_in_dim3A_435 = vector.broadcast %add3A_434 : i32 to vector<16xi32>
        %gather3A_436 = tpu.vector_load_idx %arg10[%broadcast_in_dim3A_435] : memref<8192xi32, #tpu.memory_space<vmem>>[vector<16xi32>], vector<16xi32>,
        %gather3A_437 = tpu.vector_load_idx %arg11[%broadcast_in_dim3A_435] : memref<8192xf32, #tpu.memory_space<vmem>>[vector<16xi32>], vector<16xf32>,
        %div3A_438 = arith.constant 128 : i32
        %div3A_439 = vector.broadcast %div3A_438 : i32 to vector<16xi32>
        %div3A_440 = arith.divsi %gather3A_436, %div3A_439 : vector<16xi32>
        %mul3A_441 = arith.constant 128 : i32
        %mul3A_442 = vector.broadcast %mul3A_441 : i32 to vector<16xi32>
        %mul3A_443 = arith.muli %div3A_440, %mul3A_442 : vector<16xi32>
        %sub3A_444 = arith.subi %gather3A_436, %mul3A_443 : vector<16xi32>
        tpu.vector_store_idx %arg8[%div3A_440, %sub3A_444], %gather3A_437 masked %eq3A_8 {add = true} : memref<256x128xf32, #tpu.memory_space<vmem>>[vector<16xi32>, vector<16xi32>], vector<16xf32>, vector<16xi1>
        %while3A_445 = arith.constant 0 : i32
        scf.yield %while3A_445 : i32
      }
      %mul3A_338 = arith.constant 256 : i32
      %mul3A_339 = arith.muli %add3A_301, %mul3A_338 : i32
      %add3A_340 = arith.addi %mul3A_4, %mul3A_339 : i32
      %multiple_of3A_341 = tpu.assume_multiple %add3A_340, 8 : i32
      %dma_start3A_342 = arith.constant 0 : i32
      %dma_start3A_343 = arith.constant 0 : i32
      %dma_start3A_344 = tpu.memref_slice %arg8[%dma_start3A_342, %dma_start3A_343] : memref<256x128xf32, #tpu.memory_space<vmem>> -> memref<256x128xf32, #tpu.memory_space<vmem>>
      %dma_start3A_345 = tpu.memref_slice %arg6[%multiple_of3A_341, %multiple_of3A] : memref<100000x1024xf32, #tpu.memory_space<hbm>> -> memref<256x128xf32, #tpu.memory_space<hbm>>
      %dma_start3A_346 = tpu.memref_slice %arg6[%multiple_of3A_341, %multiple_of3A] : memref<100000x1024xf32, #tpu.memory_space<hbm>> -> memref<256x128xf32, #tpu.memory_space<hbm>>
      %dma_start3A_347 = arith.constant 0 : i32
      %dma_start3A_348 = arith.constant 0 : i32
      %dma_start3A_349 = tpu.memref_slice %arg8[%dma_start3A_347, %dma_start3A_348] : memref<256x128xf32, #tpu.memory_space<vmem>> -> memref<256x128xf32, #tpu.memory_space<vmem>>
      tpu.enqueue_dma source(%dma_start3A_349 : memref<256x128xf32, #tpu.memory_space<vmem>>) target(%dma_start3A_346 : memref<256x128xf32, #tpu.memory_space<hbm>>) target_semaphore(%arg21 : memref<!tpu.dma_semaphore, #tpu.memory_space<semaphore_mem>>)
      %ge3A_350 = arith.constant 2 : i32
      %ge3A_351 = arith.cmpi sge, %add3A_301, %ge3A_350 : i32
      %convert_element_type3A_352 = arith.extui %ge3A_351 : i1 to i32
      %cond3A_353 = arith.constant 0 : i32
      %cond3A_354 = arith.cmpi ne, %convert_element_type3A_352, %cond3A_353 : i32
      scf.if %cond3A_354 {
        %sub3A_432 = arith.constant 2 : i32
        %sub3A_433 = arith.subi %add3A_301, %sub3A_432 : i32
        %mul3A_434 = arith.constant 256 : i32
        %mul3A_435 = arith.muli %sub3A_433, %mul3A_434 : i32
        %add3A_436 = arith.addi %mul3A_4, %mul3A_435 : i32
        %multiple_of3A_437 = tpu.assume_multiple %add3A_436, 8 : i32
        %dma_wait3A_438 = tpu.memref_slice %arg6[%multiple_of3A_437, %multiple_of3A] : memref<100000x1024xf32, #tpu.memory_space<hbm>> -> memref<256x128xf32, #tpu.memory_space<hbm>>
        %dma_wait3A_439 = tpu.memref_slice %arg6[%multiple_of3A_437, %multiple_of3A] : memref<100000x1024xf32, #tpu.memory_space<hbm>> -> memref<256x128xf32, #tpu.memory_space<hbm>>
        tpu.wait_dma2 semaphore(%arg22 : memref<!tpu.dma_semaphore, #tpu.memory_space<semaphore_mem>>) src(%arg9 : memref<256x128xf32, #tpu.memory_space<vmem>>) dst(%dma_wait3A_439 : memref<256x128xf32, #tpu.memory_space<hbm>>)
      } else {
      }
      %ge3A_355 = arith.constant 2 : i32
      %ge3A_356 = arith.cmpi sge, %add3A_301, %ge3A_355 : i32
      %add3A_357 = arith.constant 1 : i32
      %add3A_358 = arith.addi %add3A_301, %add3A_357 : i32
      %lt3A_359 = arith.constant 97 : i32
      %lt3A_360 = arith.cmpi slt, %add3A_358, %lt3A_359 : i32
      %and3A_361 = arith.andi %ge3A_356, %lt3A_360 : i1
      %convert_element_type3A_362 = arith.extui %and3A_361 : i1 to i32
      %cond3A_363 = arith.constant 0 : i32
      %cond3A_364 = arith.cmpi ne, %convert_element_type3A_362, %cond3A_363 : i32
      scf.if %cond3A_364 {
        %add3A_432 = arith.constant 1 : i32
        %add3A_433 = arith.addi %add3A_301, %add3A_432 : i32
        %mul3A_434 = arith.constant 256 : i32
        %mul3A_435 = arith.muli %add3A_433, %mul3A_434 : i32
        %add3A_436 = arith.addi %mul3A_4, %mul3A_435 : i32
        %multiple_of3A_437 = tpu.assume_multiple %add3A_436, 8 : i32
        %dma_start3A_438 = tpu.memref_slice %arg2[%multiple_of3A_437, %multiple_of3A] : memref<100000x1024xf32, #tpu.memory_space<hbm>> -> memref<256x128xf32, #tpu.memory_space<hbm>>
        %dma_start3A_439 = tpu.memref_slice %arg2[%multiple_of3A_437, %multiple_of3A] : memref<100000x1024xf32, #tpu.memory_space<hbm>> -> memref<256x128xf32, #tpu.memory_space<hbm>>
        tpu.enqueue_dma source(%dma_start3A_439 : memref<256x128xf32, #tpu.memory_space<hbm>>) target(%arg9 : memref<256x128xf32, #tpu.memory_space<vmem>>) target_semaphore(%arg19 : memref<!tpu.dma_semaphore, #tpu.memory_space<semaphore_mem>>)
      } else {
      }
      %add3A_365 = arith.addi %add3A_299, %reduce_max3A_325 : i32
      %add3A_366 = arith.constant 2 : i32
      %add3A_367 = arith.addi %mul3A_240, %add3A_366 : i32
      %mul3A_368 = arith.constant 256 : i32
      %mul3A_369 = arith.muli %add3A_367, %mul3A_368 : i32
      %add3A_370 = arith.addi %mul3A_4, %mul3A_369 : i32
      %multiple_of3A_371 = tpu.assume_multiple %add3A_370, 8 : i32
      %dma_wait3A_372 = arith.constant 0 : i32
      %dma_wait3A_373 = arith.constant 0 : i32
      %dma_wait3A_374 = tpu.memref_slice %arg9[%dma_wait3A_372, %dma_wait3A_373] : memref<256x128xf32, #tpu.memory_space<vmem>> -> memref<256x128xf32, #tpu.memory_space<vmem>>
      %dma_wait3A_375 = tpu.memref_slice %arg2[%multiple_of3A_371, %multiple_of3A] : memref<100000x1024xf32, #tpu.memory_space<hbm>> -> memref<256x128xf32, #tpu.memory_space<hbm>>
      %dma_wait3A_376 = arith.constant 0 : i32
      %dma_wait3A_377 = arith.constant 0 : i32
      %dma_wait3A_378 = tpu.memref_slice %arg9[%dma_wait3A_376, %dma_wait3A_377] : memref<256x128xf32, #tpu.memory_space<vmem>> -> memref<256x128xf32, #tpu.memory_space<vmem>>
      %dma_wait3A_379 = tpu.memref_slice %arg2[%multiple_of3A_371, %multiple_of3A] : memref<100000x1024xf32, #tpu.memory_space<hbm>> -> memref<256x128xf32, #tpu.memory_space<hbm>>
      tpu.wait_dma2 semaphore(%arg19 : memref<!tpu.dma_semaphore, #tpu.memory_space<semaphore_mem>>) src(%dma_wait3A_379 : memref<256x128xf32, #tpu.memory_space<hbm>>) dst(%dma_wait3A_378 : memref<256x128xf32, #tpu.memory_space<vmem>>)
      %rem3A_380 = arith.constant 128 : i32
      %rem3A_381 = arith.remsi %add3A_367, %rem3A_380 : i32
      %broadcast_in_dim3A_382 = vector.broadcast %rem3A_381 : i32 to vector<16xi32>
      %gather3A_383 = tpu.vector_load_idx %arg15[%broadcast_in_dim3A_382] : memref<128xi32, #tpu.memory_space<vmem>>[vector<16xi32>], vector<16xi32>,
      %reduce_max3A_384 = arith.constant true
      %reduce_max3A_385 = vector.broadcast %reduce_max3A_384 : i1 to vector<16xi1>
      %reduce_max3A_386 = arith.constant -2147483648 : i32
      %reduce_max3A_387 = vector.broadcast %reduce_max3A_386 : i32 to vector<16xi32>
      %reduce_max3A_388 = arith.xori %gather3A_383, %reduce_max3A_387 : vector<16xi32>
      %reduce_max3A_389 = tpu.scan <max>, %reduce_max3A_388 masked %reduce_max3A_385 : vector<16xi32>, vector<16xi1> -> vector<16xi32>
      %reduce_max3A_390 = arith.xori %reduce_max3A_389, %reduce_max3A_387 : vector<16xi32>
      %reduce_max3A_391 = vector.extract %reduce_max3A_390[15] : i32 from vector<16xi32>
      %while3A_392 = arith.constant 0 : i32
      %while3A_393 = arith.constant 0 : i32
      %while3A_394 = arith.subi %reduce_max3A_391, %while3A_392 : i32
      %while3A_395 = arith.addi %while3A_392, %while3A_394 : i32
      %while3A_396 = arith.constant 1 : i32
      %while3A_397 = arith.divsi %while3A_394, %while3A_396 : i32
      %while3A_398 = arith.muli %while3A_397, %while3A_396 : i32
      %while3A_399 = arith.addi %while3A_392, %while3A_398 : i32
      %while3A_400 = arith.constant 1 : i32
      %while3A_401 = scf.for %while3A_432 = %while3A_392 to %while3A_399 step %while3A_400 iter_args(%while3A_433 = %while3A_393) -> (i32)  : i32 {
        %add3A_434 = arith.addi %add3A_365, %while3A_432 : i32
        %broadcast_in_dim3A_435 = vector.broadcast %add3A_434 : i32 to vector<16xi32>
        %gather3A_436 = tpu.vector_load_idx %arg10[%broadcast_in_dim3A_435] : memref<8192xi32, #tpu.memory_space<vmem>>[vector<16xi32>], vector<16xi32>,
        %gather3A_437 = tpu.vector_load_idx %arg11[%broadcast_in_dim3A_435] : memref<8192xf32, #tpu.memory_space<vmem>>[vector<16xi32>], vector<16xf32>,
        %div3A_438 = arith.constant 128 : i32
        %div3A_439 = vector.broadcast %div3A_438 : i32 to vector<16xi32>
        %div3A_440 = arith.divsi %gather3A_436, %div3A_439 : vector<16xi32>
        %mul3A_441 = arith.constant 128 : i32
        %mul3A_442 = vector.broadcast %mul3A_441 : i32 to vector<16xi32>
        %mul3A_443 = arith.muli %div3A_440, %mul3A_442 : vector<16xi32>
        %sub3A_444 = arith.subi %gather3A_436, %mul3A_443 : vector<16xi32>
        tpu.vector_store_idx %arg9[%div3A_440, %sub3A_444], %gather3A_437 masked %eq3A_8 {add = true} : memref<256x128xf32, #tpu.memory_space<vmem>>[vector<16xi32>, vector<16xi32>], vector<16xf32>, vector<16xi1>
        %while3A_445 = arith.constant 0 : i32
        scf.yield %while3A_445 : i32
      }
      %while3A_402 = arith.constant 1 : i32
      %while3A_403 = scf.for %while3A_432 = %while3A_399 to %while3A_395 step %while3A_402 iter_args(%while3A_433 = %while3A_401) -> (i32)  : i32 {
        %add3A_434 = arith.addi %add3A_365, %while3A_432 : i32
        %broadcast_in_dim3A_435 = vector.broadcast %add3A_434 : i32 to vector<16xi32>
        %gather3A_436 = tpu.vector_load_idx %arg10[%broadcast_in_dim3A_435] : memref<8192xi32, #tpu.memory_space<vmem>>[vector<16xi32>], vector<16xi32>,
        %gather3A_437 = tpu.vector_load_idx %arg11[%broadcast_in_dim3A_435] : memref<8192xf32, #tpu.memory_space<vmem>>[vector<16xi32>], vector<16xf32>,
        %div3A_438 = arith.constant 128 : i32
        %div3A_439 = vector.broadcast %div3A_438 : i32 to vector<16xi32>
        %div3A_440 = arith.divsi %gather3A_436, %div3A_439 : vector<16xi32>
        %mul3A_441 = arith.constant 128 : i32
        %mul3A_442 = vector.broadcast %mul3A_441 : i32 to vector<16xi32>
        %mul3A_443 = arith.muli %div3A_440, %mul3A_442 : vector<16xi32>
        %sub3A_444 = arith.subi %gather3A_436, %mul3A_443 : vector<16xi32>
        tpu.vector_store_idx %arg9[%div3A_440, %sub3A_444], %gather3A_437 masked %eq3A_8 {add = true} : memref<256x128xf32, #tpu.memory_space<vmem>>[vector<16xi32>, vector<16xi32>], vector<16xf32>, vector<16xi1>
        %while3A_445 = arith.constant 0 : i32
        scf.yield %while3A_445 : i32
      }
      %mul3A_404 = arith.constant 256 : i32
      %mul3A_405 = arith.muli %add3A_367, %mul3A_404 : i32
      %add3A_406 = arith.addi %mul3A_4, %mul3A_405 : i32
      %multiple_of3A_407 = tpu.assume_multiple %add3A_406, 8 : i32
      %dma_start3A_408 = arith.constant 0 : i32
      %dma_start3A_409 = arith.constant 0 : i32
      %dma_start3A_410 = tpu.memref_slice %arg9[%dma_start3A_408, %dma_start3A_409] : memref<256x128xf32, #tpu.memory_space<vmem>> -> memref<256x128xf32, #tpu.memory_space<vmem>>
      %dma_start3A_411 = tpu.memref_slice %arg6[%multiple_of3A_407, %multiple_of3A] : memref<100000x1024xf32, #tpu.memory_space<hbm>> -> memref<256x128xf32, #tpu.memory_space<hbm>>
      %dma_start3A_412 = tpu.memref_slice %arg6[%multiple_of3A_407, %multiple_of3A] : memref<100000x1024xf32, #tpu.memory_space<hbm>> -> memref<256x128xf32, #tpu.memory_space<hbm>>
      %dma_start3A_413 = arith.constant 0 : i32
      %dma_start3A_414 = arith.constant 0 : i32
      %dma_start3A_415 = tpu.memref_slice %arg9[%dma_start3A_413, %dma_start3A_414] : memref<256x128xf32, #tpu.memory_space<vmem>> -> memref<256x128xf32, #tpu.memory_space<vmem>>
      tpu.enqueue_dma source(%dma_start3A_415 : memref<256x128xf32, #tpu.memory_space<vmem>>) target(%dma_start3A_412 : memref<256x128xf32, #tpu.memory_space<hbm>>) target_semaphore(%arg22 : memref<!tpu.dma_semaphore, #tpu.memory_space<semaphore_mem>>)
      %ge3A_416 = arith.constant 2 : i32
      %ge3A_417 = arith.cmpi sge, %add3A_367, %ge3A_416 : i32
      %convert_element_type3A_418 = arith.extui %ge3A_417 : i1 to i32
      %cond3A_419 = arith.constant 0 : i32
      %cond3A_420 = arith.cmpi ne, %convert_element_type3A_418, %cond3A_419 : i32
      scf.if %cond3A_420 {
        %sub3A_432 = arith.constant 2 : i32
        %sub3A_433 = arith.subi %add3A_367, %sub3A_432 : i32
        %mul3A_434 = arith.constant 256 : i32
        %mul3A_435 = arith.muli %sub3A_433, %mul3A_434 : i32
        %add3A_436 = arith.addi %mul3A_4, %mul3A_435 : i32
        %multiple_of3A_437 = tpu.assume_multiple %add3A_436, 8 : i32
        %dma_wait3A_438 = tpu.memref_slice %arg6[%multiple_of3A_437, %multiple_of3A] : memref<100000x1024xf32, #tpu.memory_space<hbm>> -> memref<256x128xf32, #tpu.memory_space<hbm>>
        %dma_wait3A_439 = tpu.memref_slice %arg6[%multiple_of3A_437, %multiple_of3A] : memref<100000x1024xf32, #tpu.memory_space<hbm>> -> memref<256x128xf32, #tpu.memory_space<hbm>>
        tpu.wait_dma2 semaphore(%arg20 : memref<!tpu.dma_semaphore, #tpu.memory_space<semaphore_mem>>) src(%arg7 : memref<256x128xf32, #tpu.memory_space<vmem>>) dst(%dma_wait3A_439 : memref<256x128xf32, #tpu.memory_space<hbm>>)
      } else {
      }
      %ge3A_421 = arith.constant 2 : i32
      %ge3A_422 = arith.cmpi sge, %add3A_367, %ge3A_421 : i32
      %add3A_423 = arith.constant 1 : i32
      %add3A_424 = arith.addi %add3A_367, %add3A_423 : i32
      %lt3A_425 = arith.constant 97 : i32
      %lt3A_426 = arith.cmpi slt, %add3A_424, %lt3A_425 : i32
      %and3A_427 = arith.andi %ge3A_422, %lt3A_426 : i1
      %convert_element_type3A_428 = arith.extui %and3A_427 : i1 to i32
      %cond3A_429 = arith.constant 0 : i32
      %cond3A_430 = arith.cmpi ne, %convert_element_type3A_428, %cond3A_429 : i32
      scf.if %cond3A_430 {
        %add3A_432 = arith.constant 1 : i32
        %add3A_433 = arith.addi %add3A_367, %add3A_432 : i32
        %mul3A_434 = arith.constant 256 : i32
        %mul3A_435 = arith.muli %add3A_433, %mul3A_434 : i32
        %add3A_436 = arith.addi %mul3A_4, %mul3A_435 : i32
        %multiple_of3A_437 = tpu.assume_multiple %add3A_436, 8 : i32
        %dma_start3A_438 = tpu.memref_slice %arg2[%multiple_of3A_437, %multiple_of3A] : memref<100000x1024xf32, #tpu.memory_space<hbm>> -> memref<256x128xf32, #tpu.memory_space<hbm>>
        %dma_start3A_439 = tpu.memref_slice %arg2[%multiple_of3A_437, %multiple_of3A] : memref<100000x1024xf32, #tpu.memory_space<hbm>> -> memref<256x128xf32, #tpu.memory_space<hbm>>
        tpu.enqueue_dma source(%dma_start3A_439 : memref<256x128xf32, #tpu.memory_space<hbm>>) target(%arg7 : memref<256x128xf32, #tpu.memory_space<vmem>>) target_semaphore(%arg17 : memref<!tpu.dma_semaphore, #tpu.memory_space<semaphore_mem>>)
      } else {
      }
      %add3A_431 = arith.addi %add3A_365, %reduce_max3A_391 : i32
      scf.yield %add3A_431 : i32
    }
    %scan3A_106 = arith.constant 32 : i32
    %add3A_107 = arith.constant 24576 : i32
    %add3A_108 = arith.addi %mul3A_4, %add3A_107 : i32
    %multiple_of3A_109 = tpu.assume_multiple %add3A_108, 8 : i32
    %dma_wait3A = arith.constant 0 : i32
    %dma_wait3A_110 = arith.constant 0 : i32
    %dma_wait3A_111 = tpu.memref_slice %arg7[%dma_wait3A, %dma_wait3A_110] : memref<256x128xf32, #tpu.memory_space<vmem>> -> memref<256x128xf32, #tpu.memory_space<vmem>>
    %dma_wait3A_112 = tpu.memref_slice %arg2[%multiple_of3A_109, %multiple_of3A] : memref<100000x1024xf32, #tpu.memory_space<hbm>> -> memref<256x128xf32, #tpu.memory_space<hbm>>
    %dma_wait3A_113 = arith.constant 0 : i32
    %dma_wait3A_114 = arith.constant 0 : i32
    %dma_wait3A_115 = tpu.memref_slice %arg7[%dma_wait3A_113, %dma_wait3A_114] : memref<256x128xf32, #tpu.memory_space<vmem>> -> memref<256x128xf32, #tpu.memory_space<vmem>>
    %dma_wait3A_116 = tpu.memref_slice %arg2[%multiple_of3A_109, %multiple_of3A] : memref<100000x1024xf32, #tpu.memory_space<hbm>> -> memref<256x128xf32, #tpu.memory_space<hbm>>
    tpu.wait_dma2 semaphore(%arg17 : memref<!tpu.dma_semaphore, #tpu.memory_space<semaphore_mem>>) src(%dma_wait3A_116 : memref<256x128xf32, #tpu.memory_space<hbm>>) dst(%dma_wait3A_115 : memref<256x128xf32, #tpu.memory_space<vmem>>)
    %rem3A_117 = arith.constant 96 : i32
    %rem3A_118 = arith.constant 128 : i32
    %rem3A_119 = arith.remsi %rem3A_117, %rem3A_118 : i32
    %broadcast_in_dim3A_120 = vector.broadcast %rem3A_119 : i32 to vector<16xi32>
    %gather3A = tpu.vector_load_idx %arg15[%broadcast_in_dim3A_120] : memref<128xi32, #tpu.memory_space<vmem>>[vector<16xi32>], vector<16xi32>,
    %reduce_max3A = arith.constant true
    %reduce_max3A_121 = vector.broadcast %reduce_max3A : i1 to vector<16xi1>
    %reduce_max3A_122 = arith.constant -2147483648 : i32
    %reduce_max3A_123 = vector.broadcast %reduce_max3A_122 : i32 to vector<16xi32>
    %reduce_max3A_124 = arith.xori %gather3A, %reduce_max3A_123 : vector<16xi32>
    %reduce_max3A_125 = tpu.scan <max>, %reduce_max3A_124 masked %reduce_max3A_121 : vector<16xi32>, vector<16xi1> -> vector<16xi32>
    %reduce_max3A_126 = arith.xori %reduce_max3A_125, %reduce_max3A_123 : vector<16xi32>
    %reduce_max3A_127 = vector.extract %reduce_max3A_126[15] : i32 from vector<16xi32>
    %while3A_128 = arith.constant 0 : i32
    %while3A_129 = arith.constant 0 : i32
    %while3A_130 = arith.subi %reduce_max3A_127, %while3A_128 : i32
    %while3A_131 = arith.addi %while3A_128, %while3A_130 : i32
    %while3A_132 = arith.constant 1 : i32
    %while3A_133 = arith.divsi %while3A_130, %while3A_132 : i32
    %while3A_134 = arith.muli %while3A_133, %while3A_132 : i32
    %while3A_135 = arith.addi %while3A_128, %while3A_134 : i32
    %while3A_136 = arith.constant 1 : i32
    %while3A_137 = scf.for %while3A_237 = %while3A_128 to %while3A_135 step %while3A_136 iter_args(%while3A_238 = %while3A_129) -> (i32)  : i32 {
      %add3A_239 = arith.addi %scan3A_105, %while3A_237 : i32
      %broadcast_in_dim3A_240 = vector.broadcast %add3A_239 : i32 to vector<16xi32>
      %gather3A_241 = tpu.vector_load_idx %arg10[%broadcast_in_dim3A_240] : memref<8192xi32, #tpu.memory_space<vmem>>[vector<16xi32>], vector<16xi32>,
      %gather3A_242 = tpu.vector_load_idx %arg11[%broadcast_in_dim3A_240] : memref<8192xf32, #tpu.memory_space<vmem>>[vector<16xi32>], vector<16xf32>,
      %div3A_243 = arith.constant 128 : i32
      %div3A_244 = vector.broadcast %div3A_243 : i32 to vector<16xi32>
      %div3A_245 = arith.divsi %gather3A_241, %div3A_244 : vector<16xi32>
      %mul3A_246 = arith.constant 128 : i32
      %mul3A_247 = vector.broadcast %mul3A_246 : i32 to vector<16xi32>
      %mul3A_248 = arith.muli %div3A_245, %mul3A_247 : vector<16xi32>
      %sub3A_249 = arith.subi %gather3A_241, %mul3A_248 : vector<16xi32>
      tpu.vector_store_idx %arg7[%div3A_245, %sub3A_249], %gather3A_242 masked %eq3A_8 {add = true} : memref<256x128xf32, #tpu.memory_space<vmem>>[vector<16xi32>, vector<16xi32>], vector<16xf32>, vector<16xi1>
      %while3A_250 = arith.constant 0 : i32
      scf.yield %while3A_250 : i32
    }
    %while3A_138 = arith.constant 1 : i32
    %while3A_139 = scf.for %while3A_237 = %while3A_135 to %while3A_131 step %while3A_138 iter_args(%while3A_238 = %while3A_137) -> (i32)  : i32 {
      %add3A_239 = arith.addi %scan3A_105, %while3A_237 : i32
      %broadcast_in_dim3A_240 = vector.broadcast %add3A_239 : i32 to vector<16xi32>
      %gather3A_241 = tpu.vector_load_idx %arg10[%broadcast_in_dim3A_240] : memref<8192xi32, #tpu.memory_space<vmem>>[vector<16xi32>], vector<16xi32>,
      %gather3A_242 = tpu.vector_load_idx %arg11[%broadcast_in_dim3A_240] : memref<8192xf32, #tpu.memory_space<vmem>>[vector<16xi32>], vector<16xf32>,
      %div3A_243 = arith.constant 128 : i32
      %div3A_244 = vector.broadcast %div3A_243 : i32 to vector<16xi32>
      %div3A_245 = arith.divsi %gather3A_241, %div3A_244 : vector<16xi32>
      %mul3A_246 = arith.constant 128 : i32
      %mul3A_247 = vector.broadcast %mul3A_246 : i32 to vector<16xi32>
      %mul3A_248 = arith.muli %div3A_245, %mul3A_247 : vector<16xi32>
      %sub3A_249 = arith.subi %gather3A_241, %mul3A_248 : vector<16xi32>
      tpu.vector_store_idx %arg7[%div3A_245, %sub3A_249], %gather3A_242 masked %eq3A_8 {add = true} : memref<256x128xf32, #tpu.memory_space<vmem>>[vector<16xi32>, vector<16xi32>], vector<16xf32>, vector<16xi1>
      %while3A_250 = arith.constant 0 : i32
      scf.yield %while3A_250 : i32
    }
    %add3A_140 = arith.constant 24576 : i32
    %add3A_141 = arith.addi %mul3A_4, %add3A_140 : i32
    %multiple_of3A_142 = tpu.assume_multiple %add3A_141, 8 : i32
    %dma_start3A_143 = arith.constant 0 : i32
    %dma_start3A_144 = arith.constant 0 : i32
    %dma_start3A_145 = tpu.memref_slice %arg7[%dma_start3A_143, %dma_start3A_144] : memref<256x128xf32, #tpu.memory_space<vmem>> -> memref<256x128xf32, #tpu.memory_space<vmem>>
    %dma_start3A_146 = tpu.memref_slice %arg6[%multiple_of3A_142, %multiple_of3A] : memref<100000x1024xf32, #tpu.memory_space<hbm>> -> memref<256x128xf32, #tpu.memory_space<hbm>>
    %dma_start3A_147 = tpu.memref_slice %arg6[%multiple_of3A_142, %multiple_of3A] : memref<100000x1024xf32, #tpu.memory_space<hbm>> -> memref<256x128xf32, #tpu.memory_space<hbm>>
    %dma_start3A_148 = arith.constant 0 : i32
    %dma_start3A_149 = arith.constant 0 : i32
    %dma_start3A_150 = tpu.memref_slice %arg7[%dma_start3A_148, %dma_start3A_149] : memref<256x128xf32, #tpu.memory_space<vmem>> -> memref<256x128xf32, #tpu.memory_space<vmem>>
    tpu.enqueue_dma source(%dma_start3A_150 : memref<256x128xf32, #tpu.memory_space<vmem>>) target(%dma_start3A_147 : memref<256x128xf32, #tpu.memory_space<hbm>>) target_semaphore(%arg20 : memref<!tpu.dma_semaphore, #tpu.memory_space<semaphore_mem>>)
    %add3A_151 = arith.constant 24064 : i32
    %add3A_152 = arith.addi %mul3A_4, %add3A_151 : i32
    %multiple_of3A_153 = tpu.assume_multiple %add3A_152, 8 : i32
    %dma_wait3A_154 = tpu.memref_slice %arg6[%multiple_of3A_153, %multiple_of3A] : memref<100000x1024xf32, #tpu.memory_space<hbm>> -> memref<256x128xf32, #tpu.memory_space<hbm>>
    %dma_wait3A_155 = tpu.memref_slice %arg6[%multiple_of3A_153, %multiple_of3A] : memref<100000x1024xf32, #tpu.memory_space<hbm>> -> memref<256x128xf32, #tpu.memory_space<hbm>>
    tpu.wait_dma2 semaphore(%arg21 : memref<!tpu.dma_semaphore, #tpu.memory_space<semaphore_mem>>) src(%arg8 : memref<256x128xf32, #tpu.memory_space<vmem>>) dst(%dma_wait3A_155 : memref<256x128xf32, #tpu.memory_space<hbm>>)
    %add3A_156 = arith.addi %scan3A_105, %reduce_max3A_127 : i32
    %add3A_157 = arith.constant 24832 : i32
    %add3A_158 = arith.addi %mul3A_4, %add3A_157 : i32
    %multiple_of3A_159 = tpu.assume_multiple %add3A_158, 8 : i32
    %dma_start3A_160 = arith.constant 0 : i32
    %dma_start3A_161 = arith.constant 0 : i32
    %dma_start3A_162 = tpu.memref_slice %arg8[%dma_start3A_160, %dma_start3A_161] : memref<256x128xf32, #tpu.memory_space<vmem>> -> memref<168x128xf32, #tpu.memory_space<vmem>>
    %dma_start3A_163 = tpu.memref_slice %arg2[%multiple_of3A_159, %multiple_of3A] : memref<100000x1024xf32, #tpu.memory_space<hbm>> -> memref<168x128xf32, #tpu.memory_space<hbm>>
    %dma_start3A_164 = arith.constant 0 : i32
    %dma_start3A_165 = arith.constant 0 : i32
    %dma_start3A_166 = tpu.memref_slice %arg8[%dma_start3A_164, %dma_start3A_165] : memref<256x128xf32, #tpu.memory_space<vmem>> -> memref<168x128xf32, #tpu.memory_space<vmem>>
    %dma_start3A_167 = tpu.memref_slice %arg2[%multiple_of3A_159, %multiple_of3A] : memref<100000x1024xf32, #tpu.memory_space<hbm>> -> memref<168x128xf32, #tpu.memory_space<hbm>>
    tpu.enqueue_dma source(%dma_start3A_167 : memref<168x128xf32, #tpu.memory_space<hbm>>) target(%dma_start3A_166 : memref<168x128xf32, #tpu.memory_space<vmem>>) target_semaphore(%arg18 : memref<!tpu.dma_semaphore, #tpu.memory_space<semaphore_mem>>)
    %add3A_168 = arith.constant 24832 : i32
    %add3A_169 = arith.addi %mul3A_4, %add3A_168 : i32
    %multiple_of3A_170 = tpu.assume_multiple %add3A_169, 8 : i32
    %dma_wait3A_171 = arith.constant 0 : i32
    %dma_wait3A_172 = arith.constant 0 : i32
    %dma_wait3A_173 = tpu.memref_slice %arg8[%dma_wait3A_171, %dma_wait3A_172] : memref<256x128xf32, #tpu.memory_space<vmem>> -> memref<168x128xf32, #tpu.memory_space<vmem>>
    %dma_wait3A_174 = tpu.memref_slice %arg2[%multiple_of3A_170, %multiple_of3A] : memref<100000x1024xf32, #tpu.memory_space<hbm>> -> memref<168x128xf32, #tpu.memory_space<hbm>>
    %dma_wait3A_175 = arith.constant 0 : i32
    %dma_wait3A_176 = arith.constant 0 : i32
    %dma_wait3A_177 = tpu.memref_slice %arg8[%dma_wait3A_175, %dma_wait3A_176] : memref<256x128xf32, #tpu.memory_space<vmem>> -> memref<168x128xf32, #tpu.memory_space<vmem>>
    %dma_wait3A_178 = tpu.memref_slice %arg2[%multiple_of3A_170, %multiple_of3A] : memref<100000x1024xf32, #tpu.memory_space<hbm>> -> memref<168x128xf32, #tpu.memory_space<hbm>>
    tpu.wait_dma2 semaphore(%arg18 : memref<!tpu.dma_semaphore, #tpu.memory_space<semaphore_mem>>) src(%dma_wait3A_178 : memref<168x128xf32, #tpu.memory_space<hbm>>) dst(%dma_wait3A_177 : memref<168x128xf32, #tpu.memory_space<vmem>>)
    %rem3A_179 = arith.constant 97 : i32
    %rem3A_180 = arith.constant 128 : i32
    %rem3A_181 = arith.remsi %rem3A_179, %rem3A_180 : i32
    %broadcast_in_dim3A_182 = vector.broadcast %rem3A_181 : i32 to vector<16xi32>
    %gather3A_183 = tpu.vector_load_idx %arg15[%broadcast_in_dim3A_182] : memref<128xi32, #tpu.memory_space<vmem>>[vector<16xi32>], vector<16xi32>,
    %reduce_max3A_184 = arith.constant true
    %reduce_max3A_185 = vector.broadcast %reduce_max3A_184 : i1 to vector<16xi1>
    %reduce_max3A_186 = arith.constant -2147483648 : i32
    %reduce_max3A_187 = vector.broadcast %reduce_max3A_186 : i32 to vector<16xi32>
    %reduce_max3A_188 = arith.xori %gather3A_183, %reduce_max3A_187 : vector<16xi32>
    %reduce_max3A_189 = tpu.scan <max>, %reduce_max3A_188 masked %reduce_max3A_185 : vector<16xi32>, vector<16xi1> -> vector<16xi32>
    %reduce_max3A_190 = arith.xori %reduce_max3A_189, %reduce_max3A_187 : vector<16xi32>
    %reduce_max3A_191 = vector.extract %reduce_max3A_190[15] : i32 from vector<16xi32>
    %while3A_192 = arith.constant 0 : i32
    %while3A_193 = arith.constant 0 : i32
    %while3A_194 = arith.subi %reduce_max3A_191, %while3A_192 : i32
    %while3A_195 = arith.addi %while3A_192, %while3A_194 : i32
    %while3A_196 = arith.constant 1 : i32
    %while3A_197 = arith.divsi %while3A_194, %while3A_196 : i32
    %while3A_198 = arith.muli %while3A_197, %while3A_196 : i32
    %while3A_199 = arith.addi %while3A_192, %while3A_198 : i32
    %while3A_200 = arith.constant 1 : i32
    %while3A_201 = scf.for %while3A_237 = %while3A_192 to %while3A_199 step %while3A_200 iter_args(%while3A_238 = %while3A_193) -> (i32)  : i32 {
      %add3A_239 = arith.addi %add3A_156, %while3A_237 : i32
      %broadcast_in_dim3A_240 = vector.broadcast %add3A_239 : i32 to vector<16xi32>
      %gather3A_241 = tpu.vector_load_idx %arg10[%broadcast_in_dim3A_240] : memref<8192xi32, #tpu.memory_space<vmem>>[vector<16xi32>], vector<16xi32>,
      %gather3A_242 = tpu.vector_load_idx %arg11[%broadcast_in_dim3A_240] : memref<8192xf32, #tpu.memory_space<vmem>>[vector<16xi32>], vector<16xf32>,
      %div3A_243 = arith.constant 128 : i32
      %div3A_244 = vector.broadcast %div3A_243 : i32 to vector<16xi32>
      %div3A_245 = arith.divsi %gather3A_241, %div3A_244 : vector<16xi32>
      %mul3A_246 = arith.constant 128 : i32
      %mul3A_247 = vector.broadcast %mul3A_246 : i32 to vector<16xi32>
      %mul3A_248 = arith.muli %div3A_245, %mul3A_247 : vector<16xi32>
      %sub3A_249 = arith.subi %gather3A_241, %mul3A_248 : vector<16xi32>
      tpu.vector_store_idx %arg8[%div3A_245, %sub3A_249], %gather3A_242 masked %eq3A_8 {add = true} : memref<256x128xf32, #tpu.memory_space<vmem>>[vector<16xi32>, vector<16xi32>], vector<16xf32>, vector<16xi1>
      %while3A_250 = arith.constant 0 : i32
      scf.yield %while3A_250 : i32
    }
    %while3A_202 = arith.constant 1 : i32
    %while3A_203 = scf.for %while3A_237 = %while3A_199 to %while3A_195 step %while3A_202 iter_args(%while3A_238 = %while3A_201) -> (i32)  : i32 {
      %add3A_239 = arith.addi %add3A_156, %while3A_237 : i32
      %broadcast_in_dim3A_240 = vector.broadcast %add3A_239 : i32 to vector<16xi32>
      %gather3A_241 = tpu.vector_load_idx %arg10[%broadcast_in_dim3A_240] : memref<8192xi32, #tpu.memory_space<vmem>>[vector<16xi32>], vector<16xi32>,
      %gather3A_242 = tpu.vector_load_idx %arg11[%broadcast_in_dim3A_240] : memref<8192xf32, #tpu.memory_space<vmem>>[vector<16xi32>], vector<16xf32>,
      %div3A_243 = arith.constant 128 : i32
      %div3A_244 = vector.broadcast %div3A_243 : i32 to vector<16xi32>
      %div3A_245 = arith.divsi %gather3A_241, %div3A_244 : vector<16xi32>
      %mul3A_246 = arith.constant 128 : i32
      %mul3A_247 = vector.broadcast %mul3A_246 : i32 to vector<16xi32>
      %mul3A_248 = arith.muli %div3A_245, %mul3A_247 : vector<16xi32>
      %sub3A_249 = arith.subi %gather3A_241, %mul3A_248 : vector<16xi32>
      tpu.vector_store_idx %arg8[%div3A_245, %sub3A_249], %gather3A_242 masked %eq3A_8 {add = true} : memref<256x128xf32, #tpu.memory_space<vmem>>[vector<16xi32>, vector<16xi32>], vector<16xf32>, vector<16xi1>
      %while3A_250 = arith.constant 0 : i32
      scf.yield %while3A_250 : i32
    }
    %add3A_204 = arith.constant 24832 : i32
    %add3A_205 = arith.addi %mul3A_4, %add3A_204 : i32
    %multiple_of3A_206 = tpu.assume_multiple %add3A_205, 8 : i32
    %dma_start3A_207 = arith.constant 0 : i32
    %dma_start3A_208 = arith.constant 0 : i32
    %dma_start3A_209 = tpu.memref_slice %arg8[%dma_start3A_207, %dma_start3A_208] : memref<256x128xf32, #tpu.memory_space<vmem>> -> memref<168x128xf32, #tpu.memory_space<vmem>>
    %dma_start3A_210 = tpu.memref_slice %arg6[%multiple_of3A_206, %multiple_of3A] : memref<100000x1024xf32, #tpu.memory_space<hbm>> -> memref<168x128xf32, #tpu.memory_space<hbm>>
    %dma_start3A_211 = tpu.memref_slice %arg6[%multiple_of3A_206, %multiple_of3A] : memref<100000x1024xf32, #tpu.memory_space<hbm>> -> memref<168x128xf32, #tpu.memory_space<hbm>>
    %dma_start3A_212 = arith.constant 0 : i32
    %dma_start3A_213 = arith.constant 0 : i32
    %dma_start3A_214 = tpu.memref_slice %arg8[%dma_start3A_212, %dma_start3A_213] : memref<256x128xf32, #tpu.memory_space<vmem>> -> memref<168x128xf32, #tpu.memory_space<vmem>>
    tpu.enqueue_dma source(%dma_start3A_214 : memref<168x128xf32, #tpu.memory_space<vmem>>) target(%dma_start3A_211 : memref<168x128xf32, #tpu.memory_space<hbm>>) target_semaphore(%arg21 : memref<!tpu.dma_semaphore, #tpu.memory_space<semaphore_mem>>)
    %add3A_215 = arith.constant 24320 : i32
    %add3A_216 = arith.addi %mul3A_4, %add3A_215 : i32
    %multiple_of3A_217 = tpu.assume_multiple %add3A_216, 8 : i32
    %dma_wait3A_218 = tpu.memref_slice %arg6[%multiple_of3A_217, %multiple_of3A] : memref<100000x1024xf32, #tpu.memory_space<hbm>> -> memref<256x128xf32, #tpu.memory_space<hbm>>
    %dma_wait3A_219 = tpu.memref_slice %arg6[%multiple_of3A_217, %multiple_of3A] : memref<100000x1024xf32, #tpu.memory_space<hbm>> -> memref<256x128xf32, #tpu.memory_space<hbm>>
    tpu.wait_dma2 semaphore(%arg22 : memref<!tpu.dma_semaphore, #tpu.memory_space<semaphore_mem>>) src(%arg9 : memref<256x128xf32, #tpu.memory_space<vmem>>) dst(%dma_wait3A_219 : memref<256x128xf32, #tpu.memory_space<hbm>>)
    %add3A_220 = arith.addi %add3A_156, %reduce_max3A_191 : i32
    %add3A_221 = arith.constant 24576 : i32
    %add3A_222 = arith.addi %mul3A_4, %add3A_221 : i32
    %multiple_of3A_223 = tpu.assume_multiple %add3A_222, 8 : i32
    %dma_wait3A_224 = tpu.memref_slice %arg6[%multiple_of3A_223, %multiple_of3A] : memref<100000x1024xf32, #tpu.memory_space<hbm>> -> memref<256x128xf32, #tpu.memory_space<hbm>>
    %dma_wait3A_225 = tpu.memref_slice %arg6[%multiple_of3A_223, %multiple_of3A] : memref<100000x1024xf32, #tpu.memory_space<hbm>> -> memref<256x128xf32, #tpu.memory_space<hbm>>
    tpu.wait_dma2 semaphore(%arg20 : memref<!tpu.dma_semaphore, #tpu.memory_space<semaphore_mem>>) src(%arg7 : memref<256x128xf32, #tpu.memory_space<vmem>>) dst(%dma_wait3A_225 : memref<256x128xf32, #tpu.memory_space<hbm>>)
    %add3A_226 = arith.constant 24832 : i32
    %add3A_227 = arith.addi %mul3A_4, %add3A_226 : i32
    %multiple_of3A_228 = tpu.assume_multiple %add3A_227, 8 : i32
    %dma_wait3A_229 = arith.constant 0 : i32
    %dma_wait3A_230 = arith.constant 0 : i32
    %dma_wait3A_231 = tpu.memref_slice %arg8[%dma_wait3A_229, %dma_wait3A_230] : memref<256x128xf32, #tpu.memory_space<vmem>> -> memref<168x128xf32, #tpu.memory_space<vmem>>
    %dma_wait3A_232 = tpu.memref_slice %arg6[%multiple_of3A_228, %multiple_of3A] : memref<100000x1024xf32, #tpu.memory_space<hbm>> -> memref<168x128xf32, #tpu.memory_space<hbm>>
    %dma_wait3A_233 = tpu.memref_slice %arg6[%multiple_of3A_228, %multiple_of3A] : memref<100000x1024xf32, #tpu.memory_space<hbm>> -> memref<168x128xf32, #tpu.memory_space<hbm>>
    %dma_wait3A_234 = arith.constant 0 : i32
    %dma_wait3A_235 = arith.constant 0 : i32
    %dma_wait3A_236 = tpu.memref_slice %arg8[%dma_wait3A_234, %dma_wait3A_235] : memref<256x128xf32, #tpu.memory_space<vmem>> -> memref<168x128xf32, #tpu.memory_space<vmem>>
    tpu.wait_dma2 semaphore(%arg21 : memref<!tpu.dma_semaphore, #tpu.memory_space<semaphore_mem>>) src(%dma_wait3A_236 : memref<168x128xf32, #tpu.memory_space<vmem>>) dst(%dma_wait3A_233 : memref<168x128xf32, #tpu.memory_space<hbm>>)
    return
  }
}

</mosaic_0001>

<sc_bundles>
// kernel: kernel.3.cloned.1.call-start
scs
__scs_entry_jumppad:
0x0: {  	(pc) =	sbr.rel $0x88, $3  }
0x1: {  	(tag) =	ssettag $0x0;
	lr =	simm.s32 $0x1  }
0x2: {  	[smem:$0x3F9C] =	sst lr;
	_ =	strace $0xD0000000  }
0x3: {  	_ = 	snop  }
0x4: {  	_ = 	snop  }
0x5: {  	_ = 	snop  }
0x6: {  	_ = 	snop  }
0x7: {  	_ = 	snop  }
__scs_overlays_trampoline_lowered:
0x8: {  	[smem:$0x3FAB] =	sst s0  }
0x9: {  	[smem:$0x3FAC] =	sst s1  }
0xa: {  	[smem:$0x3FAD] =	sst s2  }
0xb: {  	[smem:$0x3FAE] =	sst s3  }
0xc: {  	[smem:$0x3FAF] =	sst s4  }
0xd: {  	[smem:$0x3FB0] =	sst s5  }
0xe: {  	[smem:$0x3FB1] =	sst s6  }
0xf: {  	[smem:$0x3FB2] =	sst s7  }
0x10: {  	[smem:$0x3FB3] =	sst s8  }
0x11: {  	[smem:$0x3FB4] =	sst s9;
	s0 =	simm.s32 @!p0 $0x0  }
0x12: {  	s1 =	sld [smem:$0x3F9A];
	s0 =	simm.s32 @p0 $0x1  }
0x13: {  	[smem:$0x3FB5] =	sst s0;
	s0 =	simm.s32 @!p1 $0x0  }
0x14: {  	s2 =	sld [smem:$0x3F99];
	s0 =	simm.s32 @p1 $0x1  }
0x15: {  	[smem:$0x3FB6] =	sst s0;
	s0 =	simm.s32 @!p2 $0x0  }
0x16: {  	s3 =	sld [smem:$0x3FDB];
	s0 =	simm.s32 @p2 $0x1  }
0x17: {  	s4 =	simm.s32 $0x1BF5;
	[smem:$0x3FB8] =	sst s0  }
0x18: {  	s0 =	sld [smem:$0x3F9B];
	_ =	swait.ge [sflag:s4], $0x0  }
0x19: {  	s7 =	sld [smem:$0x3F9C]  }
0x1a: {  	s8 =	sadd.s32 $0xFFFFE003, lr  }
0x1b: {  	s9 =	sadd.s32 $0xFFFFFEF7, lr;
	s5 =	simm.s32 $0xFFFFFFFF;
	p2 =	slt.u32 s8, $0xFFFFF086  }
0x1c: {  	p1 =	slt.u32 s9, $0xF7A;
	s5 =	simm.s32 @!p2 $0x0  }
0x1d: {  	s5 =	simm.s32 @p1 $0x1;
	p0 =	seq.s32 s7, s2  }
0x1e: {  	s7 =	smul.u32 @!p0 $0xF7A, s2;
	p2 =	seq.s32 @!p0 s5, $0x0  }
0x1f: {  	s9 =	smul.u32 $0xF7A, s1;
	s8 =	simm.s32 @!p0 $0x1BF5;
	p2 =	por !p2, p0  }
0x20: {  	[sflag:s8] =	ssyncset.s32 @!p0 $0xFFFFF086;
	s6 =	sadd.s32 @!p0 s3, s7;
	s7 =	simm.s32 @!p0 $0x108  }
0x21: {  	s3 =	sadd.s32 s3, s9;
	s6 =	sadd.s32 @!p0 $0x88, s6;
	s7 =	simm.s32 @p2 $0x1082  }
0x22: {  	[simem:s7], [sflag:s8] =	dma.local @!p0 [hbm:s6], $0xF7A  }
0x23: {  	s9 =	sor.u32 $0xD0000000, s2;
	s6 =	simm.s32 $0x108;
	_ =	swait.ge @!p0 [sflag:s8], $0x0  }
0x24: {  	s3 =	sadd.s32 $0x88, s3;
	s6 =	simm.s32 @!p1 $0x1082;
	[sflag:s4] =	ssyncset.s32 $0xFFFFF086  }
0x25: {  	[simem:s6], [sflag:s4] =	dma.local [hbm:s3], $0xF7A  }
0x26: {  	[smem:$0x3F9C] =	sst s1;
	(tag) =	ssettag s2;
	_ =	strace s9  }
0x27: {  	s1 =	sld [smem:$0x3FAC]  }
0x28: {  	s2 =	sld [smem:$0x3FAD]  }
0x29: {  	s4 =	sld [smem:$0x3FAF]  }
0x2a: {  	p0 =	seq.s32 s5, $0x0;
	s5 =	sld [smem:$0x3FB0]  }
0x2b: {  	s6 =	sld [smem:$0x3FB1]  }
0x2c: {  	s7 =	sld [smem:$0x3FB2]  }
0x2d: {  	s3 =	simm.s32 $0x108;
	s8 =	sld [smem:$0x3FB3]  }
0x2e: {  	s3 =	simm.s32 @!p0 $0x1082;
	s9 =	sld [smem:$0x3FB4]  }
0x2f: {  	lr =	sadd.s32 s0, s3;
	s0 =	sld [smem:$0x3FAB]  }
0x30: {  	s3 =	sld [smem:$0x3FAE]  }
0x31: {  	[smem:$0x3FB7] =	sst s10  }
0x32: {  	s10 =	sld [smem:$0x3FB5];
	_ =	sdelay $0x3  }
0x33: {  	p0 =	seq.s32 s10, $0x1;
	s10 =	sld [smem:$0x3FB7];
	_ =	sdelay $0x3  }
0x34: {  	[smem:$0x3FB7] =	sst s10  }
0x35: {  	s10 =	sld [smem:$0x3FB6];
	_ =	sdelay $0x3  }
0x36: {  	p1 =	seq.s32 s10, $0x1;
	s10 =	sld [smem:$0x3FB7];
	_ =	sdelay $0x3  }
0x37: {  	[smem:$0x3FB7] =	sst s10  }
0x38: {  	s10 =	sld [smem:$0x3FB8]  }
0x39: {  	_ = 	snop;
	(pc) =	sbr.ind lr, $3  }
0x3a: {  	_ = 	snop  }
0x3b: {  	_ = 	snop  }
0x3c: {  	p2 =	seq.s32 s10, $0x1;
	s10 =	sld [smem:$0x3FB7]  }
0x3d: {  	_ =	shalt  }
0x3e: {  	_ =	shalt  }
0x3f: {  	_ =	shalt  }
0x40: {  	_ =	shalt  }
0x41: {  	_ =	shalt  }
0x42: {  	_ =	shalt  }
0x43: {  	_ =	shalt  }
0x44: {  	_ =	shalt  }
0x45: {  	_ =	shalt  }
0x46: {  	_ =	shalt  }
0x47: {  	_ =	shalt  }
0x48: {  	_ =	shalt  }
0x49: {  	_ =	shalt  }
0x4a: {  	_ =	shalt  }
0x4b: {  	_ =	shalt  }
0x4c: {  	_ =	shalt  }
0x4d: {  	_ =	shalt  }
0x4e: {  	_ =	shalt  }
0x4f: {  	_ =	shalt  }
0x50: {  	_ =	shalt  }
0x51: {  	_ =	shalt  }
0x52: {  	_ =	shalt  }
0x53: {  	_ =	shalt  }
0x54: {  	_ =	shalt  }
0x55: {  	_ =	shalt  }
0x56: {  	_ =	shalt  }
0x57: {  	_ =	shalt  }
0x58: {  	_ =	shalt  }
0x59: {  	_ =	shalt  }
0x5a: {  	_ =	shalt  }
0x5b: {  	_ =	shalt  }
0x5c: {  	_ =	shalt  }
0x5d: {  	_ =	shalt  }
0x5e: {  	_ =	shalt  }
0x5f: {  	_ =	shalt  }
0x60: {  	_ =	shalt  }
0x61: {  	_ =	shalt  }
0x62: {  	_ =	shalt  }
0x63: {  	_ =	shalt  }
0x64: {  	_ =	shalt  }
0x65: {  	_ =	shalt  }
0x66: {  	_ =	shalt  }
0x67: {  	_ =	shalt  }
0x68: {  	_ =	shalt  }
0x69: {  	_ =	shalt  }
0x6a: {  	_ =	shalt  }
0x6b: {  	_ =	shalt  }
0x6c: {  	_ =	shalt  }
0x6d: {  	_ =	shalt  }
0x6e: {  	_ =	shalt  }
0x6f: {  	_ =	shalt  }
0x70: {  	_ =	shalt  }
0x71: {  	_ =	shalt  }
0x72: {  	_ =	shalt  }
0x73: {  	_ =	shalt  }
0x74: {  	_ =	shalt  }
0x75: {  	_ =	shalt  }
0x76: {  	_ =	shalt  }
0x77: {  	_ =	shalt  }
0x78: {  	_ =	shalt  }
0x79: {  	_ =	shalt  }
0x7a: {  	_ =	shalt  }
0x7b: {  	_ =	shalt  }
0x7c: {  	_ =	shalt  }
0x7d: {  	_ =	shalt  }
0x7e: {  	_ =	shalt  }
0x7f: {  	_ =	shalt  }
0x80: {  	_ =	shalt  }
0x81: {  	_ =	shalt  }
0x82: {  	_ =	shalt  }
0x83: {  	_ =	shalt  }
0x84: {  	_ =	shalt  }
0x85: {  	_ =	shalt  }
0x86: {  	_ =	shalt  }
0x87: {  	_ =	shalt  }
.Lfunc_end0:
.L_simem_size_0:
called_computation_lowered:
.L_overlay_start_0:
0x88: {  	s2 =	sld [smem:$0x3FD9]  }
0x89: {  	s3 =	sld [smem:$0x3FFE];
	_ =	sdelay $0x1  }
0x8a: {  	s1 =	srdreg.scid  }
0x8b: {  	s0 =	sand.u32 $0x1, s1  }
0x8c: {  	s17 =	sshll.u32 s0, $0xA;
	s2 =	sadd.s32 s3, s2  }
0x8d: {  	s2 =	sadd.s32 s2, s17  }
0x8e: {  	[smem:$0x3FC3] =	sst s2  }
0x8f: {  	_ = 	snop  }
0x90: {  	s2 =	sld [smem:$0x3FC9]  }
0x91: {  	s18 =	sld [smem:$0x3FD0];
	(tm) =	ssettm $0x1  }
0x92: {  	s4 =	sld [smem:$0x3FFB];
	_ =	sdelay $0x3  }
0x93: {  	_ =	strace s4  }
0x94: {  	s4 =	sld [smem:$0x3FFC];
	_ =	sdelay $0x3  }
0x95: {  	_ =	strace s4  }
0x96: {  	s4 =	sld [smem:$0x3FFD];
	_ =	sdelay $0x3  }
0x97: {  	_ =	strace s4  }
0x98: {  	_ =	strace $0x8FFFFFFF  }
0x99: {  	s19 =	sld [smem:$0x3FDB];
	_ =	sdelay $0x1  }
0x9a: {  	s5 =	simm.s32 $_scs_section_size  }
0x9b: {  	s6 =	simm.s32 $_size__tile_overlayer_lowered;
	s7 =	simm.s32 $_tile_overlayer_lowered  }
0x9c: {  	s22 =	simm.s32 $0x1BFF;
	s21 =	sshll.u32 s7, $0x1;
	s4 =	sadd.s32 s5, s19  }
0x9d: {  	s8 =	simm.s32 $0x0;
	s20 =	sshll.u32 s6, $0x1;
	s6 =	sadd.s32 s21, s4  }
0x9e: {  	[timem:s8], [sflag:s22] =	dma.local [hbm:s6], s20  }
0x9f: {  	_ =	swait.ge [sflag:s22], s20  }
0xa0: {  	s5 =	ssub.s32 $0x0, s20;
	[sflag:s22] =	ssyncset.done $0x0  }
0xa1: {  	[sflag:s22] =	ssyncadd.s32 s5;
	_ =	sdelay $0x1  }
0xa2: {  	s23 =	simm.s32 $0x1B8B  }
0xa3: {  	_ =	swait.ge [sflag:s23], $0x1  }
0xa4: {  	[sflag:s23] =	ssyncset.done $0x0  }
0xa5: {  	s25 =	simm.s32 $0x1B8E;
	s24 =	sld [smem:$0x3FFE];
	[sflag:s23] =	ssyncadd.s32 $0xFFFFFFFF  }
0xa6: {  	s26 =	simm.s32 $execute0_lowered;
	[smem:$0x3FD2] =	sst s25  }
0xa7: {  	s6 =	sshll.u32 s26, $0x1;
	_ =	strace $0x80000046;
	[dreg:$0x1] =	wrdreg $0xFFFFFFFF  }
0xa8: {  	s28 =	simm.s32 $_size_execute0_lowered;
	s4 =	sadd.s32 s4, s6;
	[dreg:$0x0] =	wrdreg $0x0  }
0xa9: {  	s6 =	sshll.u32 s28, $0x1;
	[dreg:$0x2] =	wrdreg s4  }
0xaa: {  	[dreg:$0x3] =	wrdreg s6  }
0xab: {  	[dreg:$0x4] =	wrdreg $0xC0  }
0xac: {  	_ =	task [dreg:s8], $0x5FFFF  }
0xad: {  	[dreg:$0x1] =	wrdreg $0xFFFFFFFF  }
0xae: {  	[dreg:$0x0] =	wrdreg $0x60  }
0xaf: {  	[dreg:$0x2] =	wrdreg s2  }
0xb0: {  	[dreg:$0x3] =	wrdreg s24  }
0xb1: {  	[dreg:$0x4] =	wrdreg s18  }
0xb2: {  	[dreg:$0x5] =	wrdreg $0x9  }
0xb3: {  	_ =	task.clear_ibuf [dreg:s8], $0x6FFFF;
	_ =	strace $0x90000046  }
0xb4: {  	s29 =	simm.s32 $0x9;
	_ =	strace $0x80000048  }
0xb5: {  	_ =	swait.ge [sflag:s29], $0x1  }
0xb6: {  	[sflag:s29] =	ssyncadd.s32 $0xFFFFFFFF  }
0xb7: {  	_ =	strace $0x90000048  }
0xb8: {  	_ =	sfence  }
0xb9: {  	s30 =	sld [smem:$0x0];
	_ =	sdelay $0x2  }
0xba: {  	s31 =	sshll.u32 s1, $0xD;
	s1 =	sshrl.u32 s1, $0x2  }
0xbb: {  	s3 =	sand.u32 $0x4000, s31;
	s1 =	sadd.s32 s1, s30  }
0xbc: {  	s0 =	sor.u32 s3, s0;
	s1 =	sshll.u32 s1, $0x11  }
0xbd: {  	s0 =	sor.u32 s1, s0  }
0xbe: {  	s0 =	sadd.s32 $0x8F2B, s0  }
0xbf: {  	[sflag:s0] =	ssyncadd.remote.s32 $0x1  }
0xc0: {  	_ =	sfence.sel $0xFFFF  }
0xc1: {  	[dreg:$0x0] =	wrdreg $0xFFFFFFFF;
	(pc) =	sbr.abs _section_cstart, $3  }
0xc2: {  	[dreg:$0x1] =	wrdreg $0xFFFFFFFF  }
0xc3: {  	_ =	task.clear_ibuf [dreg:s8], $0x2FFFF;
	_ =	strace $0x9FFFFFFF  }
0xc4: {  	(tm) =	ssettm $0x7FFFFFFF  }
0xc5: {  	_ =	shalt  }
tec
execute0_lowered:
.L_overlay_start_1:
0x0: {  	(tag) =	ssettag $0x1  }
0x1: {  	s2 =	rddreg [dreg:$0x0]  }
0x2: {  	s8 =	rddreg [dreg:$0x1]  }
0x3: {  	s4 =	rddreg [dreg:$0x2];
	s3 =	stileid.u32;
	s5 =	simm.s32 $0x0  }
0x4: {  	s0 =	srdreg.scid;
	s28 =	simm.s32 $0x1D980;
	s29 =	simm.s32 $0x1F380  }
0x5: {  	s30 =	simm.s32 $0x1F400;
	s31 =	simm.s32 $0x1;
	s12 =	simm.s32 $0x0  }
0x6: {  	s1 =	sshll.u32 s3, $0x1;
	s0 =	sand.u32 $0x1, s0;
	s3 =	sshrl.u32 s3, $0x2  }
0x7: {  	[smem:$0x7FF] =	sst s5;
	s1 =	sand.u32 $0x6, s1;
	s6 =	smul.u32 $0x186A000, s3  }
0x8: {  	s3 =	smul.u32 $0x61A8, s3;
	s1 =	sor.u32 s0, s1;
	s0 =	ssub.s32 $0x2, s0  }
0x9: {  	_ =	strace $0x80000047;
	s7 =	sshll.u32 s1, $0xA;
	s9 =	sshrl.u32 s0, $0x1  }
0xa: {  	s20 =	sadd.s32 $0x61A8, s3;
	s1 =	sor.u32 s1, s3;
	v0 =	vmov s3;
	s3 =	simm.s32 $0x4  }
0xb: {  	s8 =	sadd.s32 s7, s8;
	s6 =	sor.u32 s6, s7;
	s0 =	ssub.s32 s0, s9  }
0xc: {  	[dreg:$0x9] =	wrdreg s1;
	v1 =	vmov s20;
	s20 =	simm.s32 $0x8000;
	s7 =	sadd.s32 $0x40000, s6  }
0xd: {  	s16 =	sshrl.u32 s6, $0x3;
	s10 =	sadd.s32 $0x80000, s6;
	s18 =	sadd.s32 $0x2200, s8  }
0xe: {  	s19 =	sadd.s32 $0x200, s8;
	s21 =	sadd.s32 $0x1800000, s6;
	s22 =	sadd.s32 $0x1840000, s6  }
0xf: {  	s13 =	sadd.s32 $0xC0000, s6;
	s0 =	smax.u32 s0, $0x1;
	s7 =	sshrl.u32 s7, $0x3  }
0x10: {  	s9 =	sadd.s32 s2, s16;
	s17 =	sshrl.u32 s10, $0x3;
	[dreg:$0x7] =	wrdreg s18  }
0x11: {  	[dreg:$0x8] =	wrdreg s19;
	s23 =	sshrl.u32 s21, $0x3;
	s24 =	sshrl.u32 s22, $0x3  }
0x12: {  	[dreg:$0xd] =	wrdreg s0;
	s18 =	simm.s32 $0x400;
	s19 =	simm.s32 $0x2000  }
0x13: {  	v2 =	vimm.s32 $0x0;
	v3 =	vlaneseq.u32;
	vm3 =	vmmov $0x1;
	s21 =	simm.s32 $0x10000;
	[dreg:$0x4] =	wrdreg s9;
	s7 =	sadd.s32 s2, s7  }
.Ltmp0:
0x14: {  	v4 =	vimm.s32 $0x1;
	vm4 =	vcmask $0x704;
	vm5 =	vcmask $0xB08;
	s1 =	sadd.s32 s4, s23;
	[dreg:$0x5] =	wrdreg s7;
	(pc) =	sbr.rel .LBB2_1-.Ltmp0, $4  }
0x15: {  	vm6 =	vcmask $0xF0C;
	vm7 =	vcmask $0x1310;
	vm9 =	vcmask $0x1714;
	s22 =	simm.s32 $0x18000;
	s25 =	sadd.s32 s2, s24;
	[dreg:$0xa] =	wrdreg s1  }
0x16: {  	vm12 =	vcmask $0x1B18;
	vm14 =	vcmask $0x1F1C;
	v7 =	vimm.s32 $0x0;
	s0 =	simm.s32 $0x2;
	s26 =	sadd.s32 s4, s24;
	[dreg:$0xb] =	wrdreg s25  }
0x17: {  	vm13 =	vcmask $0x2320;
	vm8 =	vcmask $0x2724;
	v7 =	vsel vm3, $0xFFFFFFFF, v7;
	s24 =	simm.s32 $0x1A000;
	s7 =	sadd.s32 s2, s17;
	[dreg:$0xc] =	wrdreg s26  }
0x18: {  	vm15 =	vcmask $0x2B28;
	v5 =	vimm.s32 $0x60;
	v6 =	vimm.s32 $0x61;
	[tilespmem:$0x1FFF0] =	vst v7;
	s26 =	simm.s32 $0x1C000;
	s1 =	simm.s32 $0x3;
	[dreg:$0x6] =	wrdreg s7  }
.LBB2_40:
0x19: {  	_ = 	snop  }
.LBB2_43:
0x1a: {  	_ =	sdelay $0x3  }
0x1b: {  	[tilespmem:v9+s20+$0x0] =	vst.idx.add.f32.msk @p0 $0x1, v8  }
0x1c: {  	v8 =	vld.idx.msk [tilespmem:v7+s22+$0x0], $0xffff;
	_ =	sdelay $0x4  }
0x1d: {  	v63 =	vshra.s32 v8, $0x1F  }
0x1e: {  	v9 =	vshrl.u32 v63, $0x19  }
0x1f: {  	v9 =	vadd.s32 v9, v8  }
0x20: {  	v9 =	vshrl.u32 v9, $0x7  }
0x21: {  	v9 =	vshll.u32 v9, $0x7  }
0x22: {  	v10 =	vsub.s32 v8, v9  }
0x23: {  	v10 =	vand.u32 $0xFFFFFF80, v10  }
0x24: {  	v8 =	vand.u32 $0x7F, v8;
	v9 =	vadd.s32 v9, v10  }
0x25: {  	v7 =	vld.idx.msk [tilespmem:v7+s24+$0x0], $0xffff;
	v8 =	vor.u32 v8, v9;
	_ =	sdelay $0x4  }
0x26: {  	s12 =	rddreg [dreg:$0xe];
	[tilespmem:v8+s20+$0x0] =	vst.idx.add.f32.msk $0x1, v7  }
.LBB2_44:
0x27: {  	s7 =	rddreg [dreg:$0xc];
	s23 =	simm.s32 $0x6  }
0x28: {  	[hbm4b:s7+s18] =	stream.strided.scatter [tilespmem:s20], [sflag:$0x5], $0x5400, s19, s18, $0x38;
	[tilespmem:$0x1F480] =	vst v63  }
0x29: {  	_ =	swait.ge [sflag:s23], $0x8000  }
0x2a: {  	[sflag:s23] =	ssyncset.done $0x0  }
0x2b: {  	[sflag:s23] =	ssyncadd.s32 $0xFFFF8000  }
0x2c: {  	_ =	swait.ge [sflag:s3], $0x8000  }
0x2d: {  	[sflag:s3] =	ssyncset.done $0x0  }
0x2e: {  	[sflag:s3] =	ssyncadd.s32 $0xFFFF8000  }
0x2f: {  	_ =	swait.ge [sflag:s11], $0x5400  }
0x30: {  	s12 =	sadd.s32 $0x1, s12;
	s25 =	rddreg [dreg:$0xd]  }
0x31: {  	p0 =	sne.s32 s12, s25  }
.Ltmp1:
0x32: {  	_ = 	snop;
	(pc) =	sbr.rel @!p0 .LBB2_45-.Ltmp1, $3  }
0x33: {  	_ =	sdelay $0x1  }
0x34: {  	[sflag:s11] =	ssyncset.done $0x0  }
0x35: {  	[sflag:s11] =	ssyncadd.s32 $0xFFFFAC00  }
.LBB2_1:
0x36: {  	[dreg:$0xe] =	wrdreg s12  }
0x37: {  	s7 =	rddreg [dreg:$0x4]  }
0x38: {  	[tilespmem:s5], [sflag:$0x1] =	stream.strided.gather [hbm4b:s7+s18], $0x8000, s19, s18, $0x38;
	[tilespmem:$0x1F480] =	vst v63  }
0x39: {  	s11 =	rddreg [dreg:$0x5]  }
0x3a: {  	[tilespmem:s20], [sflag:$0x2] =	stream.strided.gather [hbm4b:s11+s18], $0x8000, s19, s18, $0x38;
	[tilespmem:$0x1F480] =	vst v63  }
0x3b: {  	s12 =	rddreg [dreg:$0x6]  }
0x3c: {  	[tilespmem:s21], [sflag:$0x3] =	stream.strided.gather [hbm4b:s12+s18], $0x8000, s19, s18, $0x38;
	[tilespmem:$0x1F480] =	vst v63  }
0x3d: {  	s14 =	rddreg [dreg:$0x7];
	s8 =	simm.s32 $0x7  }
0x3e: {  	[tilespmem:s22], [sflag:$0x7] =	stream.linear.gather [hbm4b:s14+s5], $0x2000, $0x38;
	[tilespmem:$0x1F480] =	vst v63  }
0x3f: {  	_ =	swait.ge [sflag:s8], $0x2000  }
0x40: {  	[sflag:s8] =	ssyncset.done $0x0  }
0x41: {  	s15 =	rddreg [dreg:$0x8];
	[sflag:s8] =	ssyncadd.s32 $0xFFFFE000  }
0x42: {  	[tilespmem:s24], [sflag:$0x7] =	stream.linear.gather [hbm4b:s15+s5], $0x2000, $0x38;
	[tilespmem:$0x1F480] =	vst v63  }
0x43: {  	_ =	swait.ge [sflag:s8], $0x2000  }
0x44: {  	[sflag:s8] =	ssyncset.done $0x0  }
0x45: {  	[sflag:s8] =	ssyncadd.s32 $0xFFFFE000  }
0x46: {  	s9 =	simm.s32 $0x1F300;
	s16 =	rddreg [dreg:$0x1]  }
0x47: {  	[tilespmem:s9], [sflag:$0x7] =	stream.linear.gather [hbm4b:s16+s5], $0x80, $0x38;
	[tilespmem:$0x1F480] =	vst v63  }
0x48: {  	_ =	swait.ge [sflag:s8], $0x80  }
0x49: {  	[sflag:s8] =	ssyncset.done $0x0  }
0x4a: {  	s17 =	simm.s32 $0x0;
	[sflag:s8] =	ssyncadd.s32 $0xFFFFFF80  }
0x4b: {  	v7 =	vld [tilespmem:s17+$0x18000];
	_ =	sdelay $0x4  }
0x4c: {  	vm0 =	vge.s32 v7, v0;
	vm1 =	vlt.s32 v7, v1  }
0x4d: {  	vm1 =	vmand vm0, vm1  }
0x4e: {  	v8 =	vsel vm1, $0x1, v2  }
0x4f: {  	(xrf0) =	vadd.scan.msk.s32 $0xffff, v8;
	v8 =	vmpcnt.ones.xlane vm1;
	_ =	sdelay $0x1  }
0x50: {  	v8 =	vxor.u32 $0x80000000, v8  }
0x51: {  	(xrf0) =	vmax.scan.msk.u32 $0xffff, v8;
	_ =	sdelay $0x1  }
0x52: {  	s23 =	sand.u32 $0xC0, s5;
	v9 =	vmov s5  }
0x53: {  	v9 =	vadd.s32 $0xFFFFFFFF, v9;
	s8 =	sshrl.u32 s23, $0x2  }
0x54: {  	v9 =	vbroadcast v9, $0x0;
	v10 =	vld [tilespmem:s8+$0x1F300]  }
0x55: {  	v8 =	vld [tilespmem:s17+$0x1A000];
	v11, _, _ =	vpop (xrf0)  }
0x56: {  	v9 =	vadd.s32 v11, v9;
	v63, _, _ =	vpop (xrf0)  }
0x57: {  	(v2sf) =	vpush v63, $0xF  }
0x58: {  	v7 =	vsub.s32 v7, v0  }
0x59: {  	s25 =	simm.s32 $0x0;
	v7 =	vshll.u32 v7, $0x7  }
0x5a: {  	v7 =	vadd.s32 s25, v7;
	v8 =	vmul.f32 v10, v8  }
0x5b: {  	s10 =	simm.s32 $0x0;
	s7 =	simm.s32 $0x1;
	[tilespmem:v9+s26+$0x0] =	vst.idx.msk vm1, v7  }
0x5c: {  	s11 =	simm.s32 $0x10;
	s14 =	simm.s32 $0x2;
	s9 =	simm.s32 $0x40;
	[tilespmem:v9+s28+$0x0] =	vst.idx.msk vm1, v8  }
.LBB2_2:
0x5d: {  	p0 =	sne.s32 s14, $0x1FF;
	v7 =	vld [tilespmem:s11+$0x18000];
	_ =	sdelay $0x4  }
0x5e: {  	vm1 =	vge.s32 v7, v0;
	vm2 =	vlt.s32 v7, v1;
	v7 =	vsub.s32 v7, v0  }
0x5f: {  	vm1 =	vmand vm1, vm2  }
0x60: {  	v8 =	vsel vm1, $0x1, v2;
	v9 =	vmpcnt.ones.xlane vm1;
	_ =	sdelay $0x1  }
0x61: {  	v9 =	vxor.u32 $0x80000000, v9;
	(xrf0) =	vadd.scan.msk.s32 $0xffff, v8;
	s8 =	spop (v2sf)  }
0x62: {  	(xrf0) =	vmax.scan.msk.u32 $0xffff, v9;
	s8 =	sadd.s32 s8, s10  }
0x63: {  	s10 =	sadd.s32 $0x80000000, s8  }
0x64: {  	s8 =	sand.u32 $0xC0, s9;
	v8 =	vmov s10  }
0x65: {  	s8 =	sshrl.u32 s8, $0x2;
	v8 =	vadd.s32 $0xFFFFFFFF, v8  }
0x66: {  	v9 =	vld [tilespmem:s8+$0x1F300];
	v8 =	vbroadcast v8, $0x0  }
0x67: {  	v10 =	vld [tilespmem:s11+$0x1A000];
	v11, _, _ =	vpop (xrf0)  }
0x68: {  	v8 =	vadd.s32 v11, v8;
	v11, _, _ =	vpop (xrf0)  }
0x69: {  	(v2sf) =	vpush v11, $0xF  }
.Ltmp2:
0x6a: {  	(pc) =	sbr.rel @p0 .LBB2_2-.Ltmp2, $4  }
0x6b: {  	v7 =	vshll.u32 v7, $0x7;
	s8 =	sshrl.u32 s7, $0x2;
	s7 =	smov.u32 s14  }
0x6c: {  	v7 =	vadd.s32 s8, v7;
	v9 =	vmul.f32 v9, v10  }
0x6d: {  	s9 =	sadd.s32 $0x40, s9;
	[tilespmem:v8+s26+$0x0] =	vst.idx.msk vm1, v7  }
0x6e: {  	s14 =	sadd.s32 $0x1, s14;
	s11 =	sshra.s32 s9, $0x2;
	[tilespmem:v8+s28+$0x0] =	vst.idx.msk vm1, v9  }
0x6f: {  	v7 =	vld [tilespmem:s11+$0x18000];
	_ =	sdelay $0x4  }
0x70: {  	vm1 =	vge.s32 v7, v0;
	vm2 =	vlt.s32 v7, v1  }
0x71: {  	vm1 =	vmand vm1, vm2  }
0x72: {  	v8 =	vmpcnt.ones.xlane vm1  }
0x73: {  	v9 =	vsel vm1, $0x1, v2  }
0x74: {  	(xrf0) =	vadd.scan.msk.s32 $0xffff, v9;
	v8 =	vxor.u32 $0x80000000, v8  }
0x75: {  	(xrf0) =	vmax.scan.msk.u32 $0xffff, v8;
	_ =	sdelay $0x4  }
0x76: {  	v8, _, _ =	vpop (xrf0)  }
0x77: {  	v61, _, _ =	vpop (xrf0)  }
0x78: {  	(v2sf) =	vpush v61, $0xF;
	_ =	sdelay $0x2  }
0x79: {  	s8 =	spop (v2sf)  }
0x7a: {  	s8 =	sadd.s32 s8, s10  }
0x7b: {  	s10 =	sadd.s32 $0x80000000, s8  }
0x7c: {  	v62 =	vmov s10  }
0x7d: {  	s17 =	sand.u32 $0xC0, s9;
	v9 =	vadd.s32 $0xFFFFFFFF, v62  }
0x7e: {  	v11 =	vld [tilespmem:s11+$0x1A000];
	s8 =	sshrl.u32 s17, $0x2;
	v9 =	vbroadcast v9, $0x0  }
0x7f: {  	v10 =	vld [tilespmem:s8+$0x1F300]  }
0x80: {  	v8 =	vadd.s32 v8, v9;
	_ =	sdelay $0x1  }
0x81: {  	v7 =	vsub.s32 v7, v0  }
0x82: {  	s7 =	sshrl.u32 s7, $0x2;
	v7 =	vshll.u32 v7, $0x7  }
0x83: {  	v7 =	vadd.s32 s7, v7;
	v63 =	vmul.f32 v10, v11  }
0x84: {  	[tilespmem:v8+s26+$0x0] =	vst.idx.msk vm1, v7;
	s11 =	spop (v2sf)  }
0x85: {  	[tilespmem:v8+s28+$0x0] =	vst.idx.msk vm1, v63;
	s23 =	sadd.s32 s11, s10  }
0x86: {  	[tilespmem:$0x1F380] =	vst v2;
	s7 =	sadd.s32 $0x80000000, s23  }
0x87: {  	[tilespmem:$0x1F390] =	vst v2;
	s7 =	sadd.s32 $0xF, s7  }
0x88: {  	[tilespmem:$0x1F3A0] =	vst v2;
	p0 =	slt.s32 s7, $0x10  }
.Ltmp3:
0x89: {  	[tilespmem:$0x1F3B0] =	vst v2;
	(pc) =	sbr.rel @p0 .LBB2_7-.Ltmp3, $4  }
0x8a: {  	[tilespmem:$0x1F3C0] =	vst v2;
	s25 =	sshra.s32 s7, $0x1F  }
0x8b: {  	[tilespmem:$0x1F3D0] =	vst v2;
	s8 =	sshrl.u32 s25, $0x1C  }
0x8c: {  	[tilespmem:$0x1F3E0] =	vst v2;
	s8 =	sadd.s32 s8, s7  }
0x8d: {  	[tilespmem:$0x1F3F0] =	vst v2;
	s9 =	sshra.s32 s8, $0x4  }
0x8e: {  	s14 =	simm.s32 $0x1C000  }
0x8f: {  	v7 =	vld [tilespmem:s14+$0x0];
	_ =	sdelay $0x2  }
0x90: {  	s7 =	sadd.s32 s10, s11  }
0x91: {  	s7 =	sadd.s32 $0x80000000, s7  }
0x92: {  	v9 =	vmov s7;
	v8 =	vshra.s32 v7, $0x1F  }
0x93: {  	vm1 =	vgt.s32 v9, v3;
	v8 =	vshrl.u32 v8, $0x11  }
0x94: {  	vm10 =	vmand vm1, vm4;
	v7 =	vadd.s32 v8, v7;
	v8 =	vimm.s32 $0x0  }
0x95: {  	v8 =	vsel vm10, $0xFFFFFFFF, v8  }
0x96: {  	vm10 =	vmand vm1, vm5;
	[tilespmem:$0x1FF90] =	vst v8;
	v8 =	vimm.s32 $0x0  }
0x97: {  	v8 =	vsel vm10, $0xFFFFFFFF, v8  }
0x98: {  	vm10 =	vmand vm1, vm7;
	[tilespmem:$0x1FFA0] =	vst v8;
	v8 =	vimm.s32 $0x0  }
0x99: {  	v8 =	vsel vm10, $0xFFFFFFFF, v8  }
0x9a: {  	[tilespmem:$0x1FFB0] =	vst v8;
	v8 =	vld [tilespmem:$0x1FF90];
	_ =	sdelay $0x3  }
0x9b: {  	vm2 =	vmand vm1, vm3  }
0x9c: {  	v7 =	vshra.s32 v7, $0xF;
	vm10 =	vnez.u8 v8;
	_ =	sdelay $0x3  }
0x9d: {  	vm11 =	vmmov vm13  }
0x9e: {  	vm13 =	vmand vm1, vm9;
	[tilespmem:v7+s29+$0x0] =	vst.idx.add.s32.msk vm2, v4;
	vm2 =	vmand vm1, vm12;
	v8 =	vimm.s32 $0x0  }
0x9f: {  	[tilespmem:v7+s29+$0x0] =	vst.idx.add.s32.msk vm10, v4;
	vm10 =	vmmov vm12;
	vm12 =	vmmov vm9;
	vm9 =	vmand vm1, vm14  }
0xa0: {  	v8 =	vsel vm9, $0xFFFFFFFF, v8  }
0xa1: {  	[tilespmem:$0x1FFC0] =	vst v8;
	v8 =	vld [tilespmem:$0x1FFA0];
	_ =	sdelay $0x4  }
0xa2: {  	vm9 =	vnez.u8 v8  }
0xa3: {  	vm0 =	vmmov vm15;
	vm15 =	vmand vm1, vm6  }
0xa4: {  	v8 =	vld [tilespmem:$0x1FFB0];
	_ =	sdelay $0x3  }
0xa5: {  	[tilespmem:v7+s29+$0x0] =	vst.idx.add.s32.msk vm9, v4  }
0xa6: {  	[tilespmem:v7+s29+$0x0] =	vst.idx.add.s32.msk vm15, v4;
	vm15 =	vnez.u8 v8;
	_ =	sdelay $0x2  }
0xa7: {  	vm0 =	vmand vm1, vm0;
	v8 =	vimm.s32 $0x0  }
0xa8: {  	v8 =	vsel vm0, $0xFFFFFFFF, v8  }
0xa9: {  	[tilespmem:$0x1FFD0] =	vst v8  }
0xaa: {  	vm0 =	vcmask $0x2F2C;
	[tilespmem:v7+s29+$0x0] =	vst.idx.add.s32.msk vm15, v4;
	vm15 =	vcmask $0x3330  }
0xab: {  	v8 =	vimm.s32 $0x0;
	[tilespmem:v7+s29+$0x0] =	vst.idx.add.s32.msk vm13, v4;
	vm13 =	vmand vm1, vm0;
	vm0 =	vmand vm1, vm15  }
0xac: {  	v8 =	vsel vm0, $0xFFFFFFFF, v8  }
0xad: {  	[tilespmem:$0x1FFE0] =	vst v8;
	v8 =	vld [tilespmem:$0x1FFC0];
	_ =	sdelay $0x4  }
0xae: {  	vm0 =	vnez.u8 v8  }
0xaf: {  	v8 =	vld [tilespmem:$0x1FFD0];
	_ =	sdelay $0x2  }
0xb0: {  	vm9 =	vmmov vm11;
	vm11 =	vmand vm1, vm11  }
0xb1: {  	vm8 =	vmand vm1, vm8;
	[tilespmem:v7+s29+$0x0] =	vst.idx.add.s32.msk vm2, v4  }
0xb2: {  	[tilespmem:v7+s29+$0x0] =	vst.idx.add.s32.msk vm0, v4;
	vm0 =	vnez.u8 v8  }
0xb3: {  	v8 =	vld [tilespmem:$0x1FFE0];
	_ =	sdelay $0x2  }
0xb4: {  	[tilespmem:v7+s29+$0x0] =	vst.idx.add.s32.msk vm11, v4  }
0xb5: {  	[tilespmem:v7+s29+$0x0] =	vst.idx.add.s32.msk vm8, v4  }
0xb6: {  	vm2 =	vcmask $0x3734;
	[tilespmem:v7+s29+$0x0] =	vst.idx.add.s32.msk vm0, v4;
	vm0 =	vnez.u8 v8  }
0xb7: {  	vm2 =	vmand vm1, vm2  }
0xb8: {  	vm3 =	vcmask $0x3B38  }
0xb9: {  	vm3 =	vmand vm1, vm3  }
0xba: {  	p1 =	seq.s32 s9, $0x1  }
.Ltmp4:
0xbb: {  	[tilespmem:v7+s29+$0x0] =	vst.idx.add.s32.msk vm13, v4;
	(pc) =	sbr.rel @p1 .LBB2_6-.Ltmp4, $4  }
0xbc: {  	[tilespmem:v7+s29+$0x0] =	vst.idx.add.s32.msk vm0, v4  }
0xbd: {  	[tilespmem:v7+s29+$0x0] =	vst.idx.add.s32.msk vm2, v4;
	vm2 =	vcmask $0x3F3C  }
0xbe: {  	vm1 =	vmand vm1, vm2  }
0xbf: {  	s15 =	sadd.s32 $0xFFFFFFFF, s9;
	vm13 =	vmmov vm10;
	vm0 =	vmmov vm9;
	[tilespmem:v7+s29+$0x0] =	vst.idx.add.s32.msk vm3, v4  }
.LBB2_5:
0xc0: {  	_ =	sdelay $0x3  }
0xc1: {  	[tilespmem:v7+s29+$0x0] =	vst.idx.add.s32.msk vm1, v4;
	s14 =	sadd.s32 $0x10, s14  }
0xc2: {  	v7 =	vld [tilespmem:s14+$0x0];
	_ =	sdelay $0x4  }
0xc3: {  	v8 =	vshra.s32 v7, $0x1F  }
0xc4: {  	v8 =	vshrl.u32 v8, $0x11  }
0xc5: {  	v7 =	vadd.s32 v8, v7;
	v8 =	vld [tilespmem:$0x1FFF0];
	_ =	sdelay $0x2  }
0xc6: {  	s7 =	sadd.s32 $0xFFFFFFF0, s7  }
0xc7: {  	v9 =	vmov s7  }
0xc8: {  	vm1 =	vgt.s32 v9, v3;
	vm2 =	vnez.u8 v8  }
0xc9: {  	vm2 =	vmand vm1, vm2  }
0xca: {  	vm3 =	vmand vm1, vm4;
	v7 =	vshra.s32 v7, $0xF  }
0xcb: {  	vm8 =	vmmov vm4;
	vm4 =	vmand vm1, vm5  }
0xcc: {  	vm9 =	vmmov vm5;
	vm5 =	vmand vm1, vm6  }
0xcd: {  	vm10 =	vmmov vm6;
	vm6 =	vmand vm1, vm7  }
0xce: {  	vm11 =	vmmov vm7;
	vm7 =	vmand vm1, vm12  }
0xcf: {  	[tilespmem:v7+s29+$0x0] =	vst.idx.add.s32.msk vm2, v4;
	vm2 =	vmand vm1, vm13  }
0xd0: {  	[tilespmem:v7+s29+$0x0] =	vst.idx.add.s32.msk vm3, v4;
	vm3 =	vmand vm1, vm14  }
0xd1: {  	[tilespmem:v7+s29+$0x0] =	vst.idx.add.s32.msk vm4, v4;
	vm4 =	vmand vm1, vm0  }
0xd2: {  	[tilespmem:v7+s29+$0x0] =	vst.idx.add.s32.msk vm5, v4;
	vm5 =	vcmask $0x2724  }
0xd3: {  	vm5 =	vmand vm1, vm5;
	[tilespmem:v7+s29+$0x0] =	vst.idx.add.s32.msk vm6, v4;
	vm6 =	vcmask $0x2B28  }
0xd4: {  	vm6 =	vmand vm1, vm6;
	[tilespmem:v7+s29+$0x0] =	vst.idx.add.s32.msk vm7, v4;
	vm7 =	vcmask $0x2F2C  }
0xd5: {  	vm7 =	vmand vm1, vm7;
	[tilespmem:v7+s29+$0x0] =	vst.idx.add.s32.msk vm2, v4  }
0xd6: {  	vm2 =	vmand vm1, vm15;
	[tilespmem:v7+s29+$0x0] =	vst.idx.add.s32.msk vm3, v4;
	vm3 =	vcmask $0x3734  }
0xd7: {  	vm3 =	vmand vm1, vm3;
	[tilespmem:v7+s29+$0x0] =	vst.idx.add.s32.msk vm4, v4;
	vm4 =	vcmask $0x3B38  }
0xd8: {  	vm4 =	vmand vm1, vm4  }
0xd9: {  	p1 =	seq.s32 s15, $0x1;
	[tilespmem:v7+s29+$0x0] =	vst.idx.add.s32.msk vm5, v4  }
.Ltmp5:
0xda: {  	[tilespmem:v7+s29+$0x0] =	vst.idx.add.s32.msk vm6, v4;
	(pc) =	sbr.rel @!p1 .LBB2_5-.Ltmp5, $4  }
0xdb: {  	[tilespmem:v7+s29+$0x0] =	vst.idx.add.s32.msk vm7, v4  }
0xdc: {  	vm5 =	vmmov vm9;
	vm9 =	vcmask $0x3F3C;
	[tilespmem:v7+s29+$0x0] =	vst.idx.add.s32.msk vm2, v4  }
0xdd: {  	vm1 =	vmand vm1, vm9;
	[tilespmem:v7+s29+$0x0] =	vst.idx.add.s32.msk vm3, v4  }
0xde: {  	s15 =	sadd.s32 $0xFFFFFFFF, s15;
	vm6 =	vmmov vm10;
	vm7 =	vmmov vm11;
	[tilespmem:v7+s29+$0x0] =	vst.idx.add.s32.msk vm4, v4;
	vm4 =	vmmov vm8  }
.LBB2_6:
0xdf: {  	_ =	sdelay $0x4  }
0xe0: {  	[tilespmem:v7+s29+$0x0] =	vst.idx.add.s32.msk vm1, v4  }
0xe1: {  	v7 =	vld [tilespmem:$0x1FFF0];
	_ =	sdelay $0x3  }
0xe2: {  	vm9 =	vmmov vm12;
	vm12 =	vmmov vm13;
	vm13 =	vmmov vm0  }
0xe3: {  	vm8 =	vcmask $0x2724;
	vm15 =	vcmask $0x2B28;
	vm3 =	vnez.u8 v7  }
.LBB2_7:
0xe4: {  	s15 =	simm.s32 $0x0  }
0xe5: {  	s7 =	simm.s32 $0x10;
	v8 =	vld [tilespmem:s15+$0x1F380]  }
0xe6: {  	v7 =	vld [tilespmem:s7+$0x1F380];
	_ =	sdelay $0x3  }
0xe7: {  	(xrf0) =	vadd.scan.msk.s32 $0xffff, v8  }
0xe8: {  	(xrf0) =	vadd.scan.msk.s32 $0xffff, v7;
	_ =	sdelay $0x4  }
0xe9: {  	s14 =	simm.s32 $0x20;
	v12, _, _ =	vpop (xrf0)  }
0xea: {  	v10 =	vld [tilespmem:s14+$0x1F380];
	(v2sf) =	vpush v12, $0xF;
	v11, _, _ =	vpop (xrf0)  }
0xeb: {  	(v2sf) =	vpush v11, $0xF;
	_ =	sdelay $0x3  }
0xec: {  	s16 =	simm.s32 $0x30;
	(xrf0) =	vadd.scan.msk.s32 $0xffff, v10  }
0xed: {  	v9 =	vld [tilespmem:s16+$0x1F380];
	_ =	sdelay $0x3  }
0xee: {  	s17 =	simm.s32 $0x0;
	s8 =	simm.s32 $0x100  }
.LBB2_8:
0xef: {  	s12 =	sshra.s32 s8, $0x2;
	p1 =	seq.s32 s8, $0x1C0;
	s8 =	sadd.s32 $0x40, s8;
	(xrf0) =	vadd.scan.msk.s32 $0xffff, v9;
	v13, _, _ =	vpop (xrf0);
	v14 =	vsub.s32 s17, v8;
	v8 =	vmov v7;
	v7 =	vmov v10  }
.Ltmp6:
0xf0: {  	v10 =	vmovc v9;
	(v2sf) =	vpush v13, $0xF;
	v14 =	vadd.s32 v12, v14;
	v12 =	vmovc v11;
	v11 =	vmov v13;
	v9 =	vld [tilespmem:s12+$0x1F380];
	(pc) =	sbr.rel @!p1 .LBB2_8-.Ltmp6, $4  }
0xf1: {  	[tilespmem:s15+$0x1F400] =	vst v14;
	s15 =	smov.u32 s7;
	s7 =	smov.u32 s14;
	s14 =	smov.u32 s16  }
0xf2: {  	s16 =	smov.u32 s12  }
0xf3: {  	s12 =	spop (v2sf)  }
0xf4: {  	s17 =	sadd.s32 s17, s12  }
0xf5: {  	(xrf0) =	vadd.scan.msk.s32 $0xffff, v9;
	_ =	sdelay $0x1  }
0xf6: {  	v13, _, _ =	vpop (xrf0)  }
0xf7: {  	(v2sf) =	vpush v13, $0xF;
	_ =	sdelay $0x2  }
0xf8: {  	v14, _, _ =	vpop (xrf0)  }
0xf9: {  	(v2sf) =	vpush v14, $0xF;
	_ =	sdelay $0x8  }
0xfa: {  	s8 =	spop (v2sf)  }
0xfb: {  	v8 =	vsub.s32 s17, v8;
	s8 =	sadd.s32 s17, s8;
	s12 =	spop (v2sf)  }
.Ltmp7:
0xfc: {  	v8 =	vadd.s32 v12, v8;
	v7 =	vsub.s32 s8, v7;
	s8 =	sadd.s32 s8, s12;
	s23 =	spop (v2sf);
	(pc) =	sbr.rel @p0 .LBB2_12-.Ltmp7, $4  }
0xfd: {  	[tilespmem:s15+$0x1F400] =	vst v8;
	v7 =	vadd.s32 v11, v7;
	v8 =	vsub.s32 s8, v10;
	s8 =	sadd.s32 s8, s23  }
0xfe: {  	[tilespmem:s7+$0x1F400] =	vst v7;
	v7 =	vadd.s32 v13, v8;
	v8 =	vsub.s32 s8, v9  }
0xff: {  	vm0 =	vmmov vm8;
	vm11 =	vmmov vm12;
	[tilespmem:s14+$0x1F400] =	vst v7;
	v7 =	vadd.s32 v14, v8  }
0x100: {  	vm10 =	vmmov vm9;
	vm12 =	vcmask $0x3734;
	vm8 =	vcmask $0x3B38;
	[tilespmem:s16+$0x1F400] =	vst v7;
	s25 =	spop (v2sf)  }
0x101: {  	s7 =	sadd.s32 s10, s11  }
0x102: {  	s10 =	simm.s32 $0x1C000;
	s11 =	simm.s32 $0x1D980;
	s7 =	sadd.s32 $0x80000000, s7  }
.LBB2_11:
0x103: {  	v7 =	vld [tilespmem:s10+$0x0];
	_ =	sdelay $0x4  }
0x104: {  	v9 =	vmov s7;
	v8 =	vshra.s32 v7, $0x1F  }
0x105: {  	vm1 =	vgt.s32 v9, v3;
	v8 =	vshrl.u32 v8, $0x11  }
0x106: {  	vm2 =	vmand vm1, vm3;
	v8 =	vadd.s32 v8, v7  }
0x107: {  	v8 =	vshra.s32 v8, $0xF;
	_ =	sdelay $0x4  }
0x108: {  	v63 =	vld.idx.msk [tilespmem:v8+s30+$0x0], vm2;
	_ =	sdelay $0x3  }
0x109: {  	v10 =	vld [tilespmem:s11+$0x0]  }
0x10a: {  	vm9 =	vmmov vm3;
	vm3 =	vmand vm1, vm4  }
0x10b: {  	v11 =	vshll.u32 v8, $0xF  }
0x10c: {  	v7 =	vsub.s32 v7, v11  }
0x10d: {  	[tilespmem:v63+s22+$0x0] =	vst.idx.msk vm2, v7  }
0x10e: {  	[tilespmem:v63+s24+$0x0] =	vst.idx.msk vm2, v10  }
0x10f: {  	[tilespmem:v8+s30+$0x0] =	vst.idx.add.s32.msk vm2, v4  }
0x110: {  	v9 =	vld.idx.msk [tilespmem:v8+s30+$0x0], vm3;
	_ =	sdelay $0x4  }
0x111: {  	vm2 =	vmand vm1, vm5;
	_ =	sdelay $0x2  }
0x112: {  	[tilespmem:v9+s22+$0x0] =	vst.idx.msk vm3, v7  }
0x113: {  	[tilespmem:v9+s24+$0x0] =	vst.idx.msk vm3, v10  }
0x114: {  	[tilespmem:v8+s30+$0x0] =	vst.idx.add.s32.msk vm3, v4  }
0x115: {  	v9 =	vld.idx.msk [tilespmem:v8+s30+$0x0], vm2;
	_ =	sdelay $0x4  }
0x116: {  	vm3 =	vmand vm1, vm6;
	_ =	sdelay $0x2  }
0x117: {  	[tilespmem:v9+s22+$0x0] =	vst.idx.msk vm2, v7  }
0x118: {  	[tilespmem:v9+s24+$0x0] =	vst.idx.msk vm2, v10  }
0x119: {  	[tilespmem:v8+s30+$0x0] =	vst.idx.add.s32.msk vm2, v4  }
0x11a: {  	v9 =	vld.idx.msk [tilespmem:v8+s30+$0x0], vm3;
	_ =	sdelay $0x4  }
0x11b: {  	vm2 =	vmand vm1, vm7;
	_ =	sdelay $0x2  }
0x11c: {  	[tilespmem:v9+s22+$0x0] =	vst.idx.msk vm3, v7  }
0x11d: {  	[tilespmem:v9+s24+$0x0] =	vst.idx.msk vm3, v10  }
0x11e: {  	[tilespmem:v8+s30+$0x0] =	vst.idx.add.s32.msk vm3, v4  }
0x11f: {  	v9 =	vld.idx.msk [tilespmem:v8+s30+$0x0], vm2;
	_ =	sdelay $0x4  }
0x120: {  	vm3 =	vmand vm1, vm10;
	_ =	sdelay $0x2  }
0x121: {  	[tilespmem:v9+s22+$0x0] =	vst.idx.msk vm2, v7  }
0x122: {  	[tilespmem:v9+s24+$0x0] =	vst.idx.msk vm2, v10  }
0x123: {  	[tilespmem:v8+s30+$0x0] =	vst.idx.add.s32.msk vm2, v4  }
0x124: {  	v9 =	vld.idx.msk [tilespmem:v8+s30+$0x0], vm3;
	_ =	sdelay $0x4  }
0x125: {  	vm2 =	vmand vm1, vm11;
	_ =	sdelay $0x2  }
0x126: {  	[tilespmem:v9+s22+$0x0] =	vst.idx.msk vm3, v7  }
0x127: {  	[tilespmem:v9+s24+$0x0] =	vst.idx.msk vm3, v10  }
0x128: {  	[tilespmem:v8+s30+$0x0] =	vst.idx.add.s32.msk vm3, v4  }
0x129: {  	v9 =	vld.idx.msk [tilespmem:v8+s30+$0x0], vm2;
	_ =	sdelay $0x4  }
0x12a: {  	vm3 =	vmand vm1, vm14;
	_ =	sdelay $0x2  }
0x12b: {  	[tilespmem:v9+s22+$0x0] =	vst.idx.msk vm2, v7  }
0x12c: {  	[tilespmem:v9+s24+$0x0] =	vst.idx.msk vm2, v10  }
0x12d: {  	[tilespmem:v8+s30+$0x0] =	vst.idx.add.s32.msk vm2, v4  }
0x12e: {  	v9 =	vld.idx.msk [tilespmem:v8+s30+$0x0], vm3;
	_ =	sdelay $0x4  }
0x12f: {  	vm2 =	vmand vm1, vm13;
	_ =	sdelay $0x2  }
0x130: {  	[tilespmem:v9+s22+$0x0] =	vst.idx.msk vm3, v7  }
0x131: {  	[tilespmem:v9+s24+$0x0] =	vst.idx.msk vm3, v10  }
0x132: {  	[tilespmem:v8+s30+$0x0] =	vst.idx.add.s32.msk vm3, v4  }
0x133: {  	v9 =	vld.idx.msk [tilespmem:v8+s30+$0x0], vm2;
	_ =	sdelay $0x4  }
0x134: {  	vm3 =	vmand vm1, vm0;
	_ =	sdelay $0x2  }
0x135: {  	[tilespmem:v9+s22+$0x0] =	vst.idx.msk vm2, v7  }
0x136: {  	[tilespmem:v9+s24+$0x0] =	vst.idx.msk vm2, v10  }
0x137: {  	[tilespmem:v8+s30+$0x0] =	vst.idx.add.s32.msk vm2, v4  }
0x138: {  	v9 =	vld.idx.msk [tilespmem:v8+s30+$0x0], vm3;
	_ =	sdelay $0x4  }
0x139: {  	vm2 =	vmand vm1, vm15;
	_ =	sdelay $0x2  }
0x13a: {  	[tilespmem:v9+s22+$0x0] =	vst.idx.msk vm3, v7  }
0x13b: {  	[tilespmem:v9+s24+$0x0] =	vst.idx.msk vm3, v10  }
0x13c: {  	[tilespmem:v8+s30+$0x0] =	vst.idx.add.s32.msk vm3, v4  }
0x13d: {  	v9 =	vld.idx.msk [tilespmem:v8+s30+$0x0], vm2;
	_ =	sdelay $0x3  }
0x13e: {  	vm3 =	vcmask $0x2F2C  }
0x13f: {  	vm3 =	vmand vm1, vm3;
	_ =	sdelay $0x2  }
0x140: {  	[tilespmem:v9+s22+$0x0] =	vst.idx.msk vm2, v7  }
0x141: {  	[tilespmem:v9+s24+$0x0] =	vst.idx.msk vm2, v10  }
0x142: {  	[tilespmem:v8+s30+$0x0] =	vst.idx.add.s32.msk vm2, v4  }
0x143: {  	v9 =	vld.idx.msk [tilespmem:v8+s30+$0x0], vm3;
	_ =	sdelay $0x3  }
0x144: {  	vm2 =	vcmask $0x3330  }
0x145: {  	vm2 =	vmand vm1, vm2;
	_ =	sdelay $0x2  }
0x146: {  	[tilespmem:v9+s22+$0x0] =	vst.idx.msk vm3, v7  }
0x147: {  	[tilespmem:v9+s24+$0x0] =	vst.idx.msk vm3, v10  }
0x148: {  	[tilespmem:v8+s30+$0x0] =	vst.idx.add.s32.msk vm3, v4  }
0x149: {  	v9 =	vld.idx.msk [tilespmem:v8+s30+$0x0], vm2;
	_ =	sdelay $0x4  }
0x14a: {  	vm3 =	vmand vm1, vm12;
	_ =	sdelay $0x2  }
0x14b: {  	[tilespmem:v9+s22+$0x0] =	vst.idx.msk vm2, v7  }
0x14c: {  	[tilespmem:v9+s24+$0x0] =	vst.idx.msk vm2, v10  }
0x14d: {  	[tilespmem:v8+s30+$0x0] =	vst.idx.add.s32.msk vm2, v4  }
0x14e: {  	v9 =	vld.idx.msk [tilespmem:v8+s30+$0x0], vm3;
	_ =	sdelay $0x4  }
0x14f: {  	vm2 =	vmand vm1, vm8;
	_ =	sdelay $0x2  }
0x150: {  	[tilespmem:v9+s22+$0x0] =	vst.idx.msk vm3, v7  }
0x151: {  	[tilespmem:v9+s24+$0x0] =	vst.idx.msk vm3, v10  }
0x152: {  	[tilespmem:v8+s30+$0x0] =	vst.idx.add.s32.msk vm3, v4  }
0x153: {  	v9 =	vld.idx.msk [tilespmem:v8+s30+$0x0], vm2;
	_ =	sdelay $0x3  }
0x154: {  	vm3 =	vcmask $0x3F3C  }
0x155: {  	vm1 =	vmand vm1, vm3;
	_ =	sdelay $0x2  }
0x156: {  	[tilespmem:v9+s22+$0x0] =	vst.idx.msk vm2, v7  }
0x157: {  	[tilespmem:v9+s24+$0x0] =	vst.idx.msk vm2, v10  }
0x158: {  	[tilespmem:v8+s30+$0x0] =	vst.idx.add.s32.msk vm2, v4  }
0x159: {  	v9 =	vld.idx.msk [tilespmem:v8+s30+$0x0], vm1;
	_ =	sdelay $0x4  }
0x15a: {  	p0 =	sne.s32 s9, $0x1  }
.Ltmp8:
0x15b: {  	_ = 	snop;
	(pc) =	sbr.rel @p0 .LBB2_11-.Ltmp8, $4  }
0x15c: {  	_ = 	snop  }
0x15d: {  	[tilespmem:v9+s22+$0x0] =	vst.idx.msk vm1, v7  }
0x15e: {  	s10 =	sadd.s32 $0x10, s10;
	[tilespmem:v9+s24+$0x0] =	vst.idx.msk vm1, v10  }
0x15f: {  	s11 =	sadd.s32 $0x10, s11;
	s7 =	sadd.s32 $0xFFFFFFF0, s7;
	s9 =	sadd.s32 $0xFFFFFFFF, s9;
	vm3 =	vmmov vm9;
	[tilespmem:v8+s30+$0x0] =	vst.idx.add.s32.msk vm1, v4  }
.LBB2_12:
.Ltmp9:
0x160: {  	(pc) =	sbr.rel .LBB2_13-.Ltmp9, $2  }
0x161: {  	_ =	sdelay $0x2  }
0x162: {  	s7 =	simm.s32 $0x0;
	s11 =	simm.s32 $0x0;
	vm9 =	vmmov vm10;
	vm12 =	vmmov vm11;
	vm8 =	vmmov vm0  }
.LBB2_27:
0x163: {  	_ = 	snop  }
.LBB2_30:
0x164: {  	_ =	sdelay $0x3  }
0x165: {  	[tilespmem:v9+s21+$0x0] =	vst.idx.add.f32.msk @p0 $0x1, v8  }
0x166: {  	v8 =	vld.idx.msk [tilespmem:v7+s22+$0x0], $0xffff;
	_ =	sdelay $0x4  }
0x167: {  	v63 =	vshra.s32 v8, $0x1F  }
0x168: {  	v9 =	vshrl.u32 v63, $0x19  }
0x169: {  	v9 =	vadd.s32 v9, v8  }
0x16a: {  	v9 =	vshrl.u32 v9, $0x7  }
0x16b: {  	v9 =	vshll.u32 v9, $0x7  }
0x16c: {  	v10 =	vsub.s32 v8, v9  }
0x16d: {  	v10 =	vand.u32 $0xFFFFFF80, v10  }
0x16e: {  	v8 =	vand.u32 $0x7F, v8;
	v9 =	vadd.s32 v9, v10  }
0x16f: {  	v7 =	vld.idx.msk [tilespmem:v7+s24+$0x0], $0xffff;
	v8 =	vor.u32 v8, v9;
	_ =	sdelay $0x4  }
0x170: {  	[tilespmem:v8+s21+$0x0] =	vst.idx.add.f32.msk $0x1, v7  }
.LBB2_31:
0x171: {  	s8 =	sshll.u32 s23, $0x12  }
0x172: {  	s8 =	sadd.s32 s6, s8  }
0x173: {  	s12 =	smul.u32 $0xC0000, s11;
	s11 =	sadd.s32 $0x1, s11;
	s8 =	sshrl.u32 s8, $0x3  }
0x174: {  	p0 =	sne.s32 s11, $0x20;
	s8 =	sadd.s32 s4, s8  }
0x175: {  	[hbm4b:s8+s18] =	stream.strided.scatter [tilespmem:s21], [sflag:$0x6], $0x8000, s19, s18, $0x38;
	[tilespmem:$0x1F480] =	vst v63  }
.Ltmp10:
0x176: {  	_ = 	snop;
	(pc) =	sbr.rel @!p0 .LBB2_32-.Ltmp10, $4  }
0x177: {  	s25 =	sadd.s32 s12, s13;
	_ =	swait.ge [sflag:s3], $0x8000  }
0x178: {  	s8 =	sshrl.u32 s25, $0x3;
	[sflag:s3] =	ssyncset.done $0x0  }
0x179: {  	s7 =	sadd.s32 s16, s7;
	s8 =	sadd.s32 s2, s8;
	[sflag:s3] =	ssyncadd.s32 $0xFFFF8000  }
0x17a: {  	[tilespmem:s5], [sflag:$0x1] =	stream.strided.gather [hbm4b:s8+s18], $0x8000, s19, s18, $0x38;
	[tilespmem:$0x1F480] =	vst v63  }
.LBB2_13:
0x17b: {  	s15 =	smul.u32 $0x3, s11;
	_ =	sdelay $0x1  }
0x17c: {  	v7 =	vmov s15;
	_ =	sdelay $0x1  }
0x17d: {  	_ =	swait.ge [sflag:s31], $0x8000  }
0x17e: {  	[sflag:s31] =	ssyncset.done $0x0  }
0x17f: {  	[sflag:s31] =	ssyncadd.s32 $0xFFFF8000  }
0x180: {  	v7 =	vld.idx.msk [tilespmem:v7+s29+$0x0], $0xffff;
	_ =	sdelay $0x4  }
0x181: {  	v7 =	vxor.u32 $0x80000000, v7  }
0x182: {  	(xrf0) =	vmax.scan.msk.u32 $0xffff, v7;
	_ =	sdelay $0x5  }
0x183: {  	v7, _, _ =	vpop (xrf0)  }
0x184: {  	(v2sf) =	vpush v7, $0xF;
	_ =	sdelay $0xe  }
0x185: {  	s10 =	spop (v2sf)  }
0x186: {  	s16 =	sxor.u32 $0x80000000, s10  }
0x187: {  	p0 =	slt.s32 s16, $0x1  }
.Ltmp11:
0x188: {  	_ = 	snop;
	(pc) =	sbr.rel @p0 .LBB2_19-.Ltmp11, $2  }
0x189: {  	_ =	sdelay $0x2  }
0x18a: {  	s9 =	smov.u32 s7  }
0x18b: {  	p1 =	sne.s32 s16, $0x1  }
.Ltmp12:
0x18c: {  	_ = 	snop;
	(pc) =	sbr.rel @!p1 .LBB2_15-.Ltmp12, $2  }
0x18d: {  	_ =	sdelay $0x2  }
0x18e: {  	v7 =	vmov s9;
	s8 =	sadd.s32 $0xFFFFFFFF, s16;
	p0 =	por $0x0, $0x0  }
0x18f: {  	_ =	sdelay $0x3  }
0x190: {  	v9 =	vld.idx.msk [tilespmem:v7+s22+$0x0], $0xffff;
	_ =	sdelay $0x4  }
0x191: {  	v8 =	vshra.s32 v9, $0x1F  }
0x192: {  	v8 =	vshrl.u32 v8, $0x19  }
0x193: {  	v8 =	vadd.s32 v8, v9  }
0x194: {  	v8 =	vshrl.u32 v8, $0x7  }
0x195: {  	p1 =	sne.s32 s8, $0x1;
	v10 =	vshll.u32 v8, $0x7  }
.Ltmp13:
0x196: {  	v8 =	vsub.s32 v9, v10;
	(pc) =	sbr.rel @!p1 .LBB2_18-.Ltmp13, $4  }
0x197: {  	v11 =	vand.u32 $0xFFFFFF80, v8  }
0x198: {  	v8 =	vld.idx.msk [tilespmem:v7+s24+$0x0], $0xffff;
	v7 =	vand.u32 $0x7F, v9;
	v9 =	vadd.s32 v10, v11  }
0x199: {  	s7 =	sadd.s32 $0x1, s9;
	v9 =	vor.u32 v7, v9  }
0x19a: {  	s8 =	sadd.s32 $0xFFFFFFFF, s8;
	p0 =	por $0x1, $0x1;
	v7 =	vmov s7  }
.LBB2_17:
0x19b: {  	p1 =	sne.s32 s8, $0x1;
	_ =	sdelay $0x2  }
0x19c: {  	[tilespmem:v9+s5+$0x0] =	vst.idx.add.f32.msk $0x1, v8  }
0x19d: {  	v9 =	vld.idx.msk [tilespmem:v7+s22+$0x0], $0xffff;
	_ =	sdelay $0x5  }
0x19e: {  	v8 =	vshra.s32 v9, $0x1F  }
0x19f: {  	v8 =	vshrl.u32 v8, $0x19  }
0x1a0: {  	v8 =	vadd.s32 v8, v9  }
0x1a1: {  	v8 =	vshrl.u32 v8, $0x7  }
0x1a2: {  	v10 =	vshll.u32 v8, $0x7  }
.Ltmp14:
0x1a3: {  	v8 =	vsub.s32 v9, v10;
	(pc) =	sbr.rel @p1 .LBB2_17-.Ltmp14, $4  }
0x1a4: {  	v11 =	vand.u32 $0xFFFFFF80, v8  }
0x1a5: {  	v8 =	vld.idx.msk [tilespmem:v7+s24+$0x0], $0xffff;
	v7 =	vand.u32 $0x7F, v9;
	v9 =	vadd.s32 v10, v11  }
0x1a6: {  	s7 =	sadd.s32 $0x1, s7;
	v9 =	vor.u32 v7, v9  }
0x1a7: {  	s8 =	sadd.s32 $0xFFFFFFFF, s8;
	v7 =	vmov s7  }
.LBB2_18:
0x1a8: {  	_ =	sdelay $0x3  }
0x1a9: {  	[tilespmem:v9+s5+$0x0] =	vst.idx.add.f32.msk @p0 $0x1, v8  }
0x1aa: {  	v8 =	vld.idx.msk [tilespmem:v7+s22+$0x0], $0xffff;
	_ =	sdelay $0x4  }
0x1ab: {  	v63 =	vshra.s32 v8, $0x1F  }
0x1ac: {  	v9 =	vshrl.u32 v63, $0x19  }
0x1ad: {  	v9 =	vadd.s32 v9, v8  }
0x1ae: {  	v9 =	vshrl.u32 v9, $0x7  }
0x1af: {  	v9 =	vshll.u32 v9, $0x7  }
0x1b0: {  	v10 =	vsub.s32 v8, v9  }
0x1b1: {  	v10 =	vand.u32 $0xFFFFFF80, v10  }
0x1b2: {  	v8 =	vand.u32 $0x7F, v8;
	v9 =	vadd.s32 v9, v10  }
0x1b3: {  	v7 =	vld.idx.msk [tilespmem:v7+s24+$0x0], $0xffff;
	v8 =	vor.u32 v8, v9;
	_ =	sdelay $0x4  }
0x1b4: {  	[tilespmem:v8+s5+$0x0] =	vst.idx.add.f32.msk $0x1, v7  }
.LBB2_19:
0x1b5: {  	s7 =	smul.u32 $0x300, s11  }
0x1b6: {  	s8 =	rddreg [dreg:$0x9]  }
0x1b7: {  	s7 =	sadd.s32 s8, s7  }
0x1b8: {  	s7 =	sshll.u32 s7, $0x7  }
0x1b9: {  	p0 =	seq.s32 s11, $0x0;
	s7 =	sand.u32 $0x1FFFFF80, s7  }
0x1ba: {  	s23 =	sadd.s32 @!p0 $0x1, s15;
	s17 =	simm.s32 @!p0 $0x400;
	s7 =	sadd.s32 s4, s7  }
0x1bb: {  	[hbm4b:s7+s18] =	stream.strided.scatter [tilespmem:s5], [sflag:$0x4], $0x8000, s19, s18, $0x38;
	[tilespmem:$0x1F480] =	vst v63  }
0x1bc: {  	s8 =	sshll.u32 @!p0 s23, $0x12;
	s23 =	simm.s32 @p0 $0x1;
	s7 =	simm.s32 @!p0 $0x5  }
0x1bd: {  	s8 =	sadd.s32 @!p0 s6, s8;
	s12 =	sand.u32 $0x7F, s23;
	_ =	swait.ge @!p0 [sflag:s7], $0x8000  }
0x1be: {  	s8 =	sshrl.u32 @!p0 s8, $0x3;
	v7 =	vmov s12;
	s12 =	simm.s32 @!p0 $0x8000;
	[sflag:s7] =	ssyncset.done @!p0 $0x0  }
0x1bf: {  	s8 =	sadd.s32 @!p0 s2, s8;
	[sflag:s7] =	ssyncadd.s32 @!p0 $0xFFFF8000;
	s7 =	simm.s32 @!p0 $0x2000  }
0x1c0: {  	[tilespmem:s12], [sflag:$0x2] =	stream.strided.gather @!p0 [hbm4b:s8+s17], $0x8000, s7, s17, $0x38;
	[tilespmem:$0x1F480] =	vst v63  }
0x1c1: {  	_ =	swait.ge [sflag:s0], $0x8000  }
0x1c2: {  	[sflag:s0] =	ssyncset.done $0x0  }
0x1c3: {  	[sflag:s0] =	ssyncadd.s32 $0xFFFF8000  }
0x1c4: {  	v7 =	vld.idx.msk [tilespmem:v7+s29+$0x0], $0xffff;
	_ =	sdelay $0x4  }
0x1c5: {  	v7 =	vxor.u32 $0x80000000, v7  }
0x1c6: {  	(xrf0) =	vmax.scan.msk.u32 $0xffff, v7;
	_ =	sdelay $0x5  }
0x1c7: {  	v7, _, _ =	vpop (xrf0)  }
0x1c8: {  	(v2sf) =	vpush v7, $0xF;
	_ =	sdelay $0xe  }
0x1c9: {  	s14 =	spop (v2sf)  }
0x1ca: {  	s25 =	sxor.u32 $0x80000000, s14  }
0x1cb: {  	p1 =	slt.s32 s25, $0x1  }
.Ltmp15:
0x1cc: {  	_ = 	snop;
	(pc) =	sbr.rel @p1 .LBB2_25-.Ltmp15, $2  }
0x1cd: {  	_ =	sdelay $0x2  }
0x1ce: {  	s16 =	sadd.s32 s9, s16  }
0x1cf: {  	p2 =	sne.s32 s25, $0x1  }
.Ltmp16:
0x1d0: {  	_ = 	snop;
	(pc) =	sbr.rel @!p2 .LBB2_21-.Ltmp16, $2  }
0x1d1: {  	_ =	sdelay $0x2  }
0x1d2: {  	v7 =	vmov s16;
	s12 =	sadd.s32 $0xFFFFFFFF, s25;
	p1 =	por $0x0, $0x0  }
0x1d3: {  	_ =	sdelay $0x3  }
0x1d4: {  	v9 =	vld.idx.msk [tilespmem:v7+s22+$0x0], $0xffff;
	_ =	sdelay $0x4  }
0x1d5: {  	v8 =	vshra.s32 v9, $0x1F  }
0x1d6: {  	v8 =	vshrl.u32 v8, $0x19  }
0x1d7: {  	v8 =	vadd.s32 v8, v9  }
0x1d8: {  	v8 =	vshrl.u32 v8, $0x7  }
0x1d9: {  	p2 =	sne.s32 s12, $0x1;
	v10 =	vshll.u32 v8, $0x7  }
.Ltmp17:
0x1da: {  	v8 =	vsub.s32 v9, v10;
	(pc) =	sbr.rel @!p2 .LBB2_24-.Ltmp17, $4  }
0x1db: {  	v11 =	vand.u32 $0xFFFFFF80, v8  }
0x1dc: {  	v8 =	vld.idx.msk [tilespmem:v7+s24+$0x0], $0xffff;
	v7 =	vand.u32 $0x7F, v9;
	v9 =	vadd.s32 v10, v11  }
0x1dd: {  	s8 =	sadd.s32 $0x1, s16;
	v9 =	vor.u32 v7, v9  }
0x1de: {  	s12 =	sadd.s32 $0xFFFFFFFF, s12;
	p1 =	por $0x1, $0x1;
	v7 =	vmov s8  }
.LBB2_23:
0x1df: {  	p2 =	sne.s32 s12, $0x1;
	_ =	sdelay $0x2  }
0x1e0: {  	[tilespmem:v9+s20+$0x0] =	vst.idx.add.f32.msk $0x1, v8  }
0x1e1: {  	v9 =	vld.idx.msk [tilespmem:v7+s22+$0x0], $0xffff;
	_ =	sdelay $0x5  }
0x1e2: {  	v8 =	vshra.s32 v9, $0x1F  }
0x1e3: {  	v8 =	vshrl.u32 v8, $0x19  }
0x1e4: {  	v8 =	vadd.s32 v8, v9  }
0x1e5: {  	v8 =	vshrl.u32 v8, $0x7  }
0x1e6: {  	v10 =	vshll.u32 v8, $0x7  }
.Ltmp18:
0x1e7: {  	v8 =	vsub.s32 v9, v10;
	(pc) =	sbr.rel @p2 .LBB2_23-.Ltmp18, $4  }
0x1e8: {  	v11 =	vand.u32 $0xFFFFFF80, v8  }
0x1e9: {  	v8 =	vld.idx.msk [tilespmem:v7+s24+$0x0], $0xffff;
	v7 =	vand.u32 $0x7F, v9;
	v9 =	vadd.s32 v10, v11  }
0x1ea: {  	s8 =	sadd.s32 $0x1, s8;
	v9 =	vor.u32 v7, v9  }
0x1eb: {  	s12 =	sadd.s32 $0xFFFFFFFF, s12;
	v7 =	vmov s8  }
.LBB2_24:
0x1ec: {  	_ =	sdelay $0x3  }
0x1ed: {  	[tilespmem:v9+s20+$0x0] =	vst.idx.add.f32.msk @p1 $0x1, v8  }
0x1ee: {  	v8 =	vld.idx.msk [tilespmem:v7+s22+$0x0], $0xffff;
	_ =	sdelay $0x4  }
0x1ef: {  	v63 =	vshra.s32 v8, $0x1F  }
0x1f0: {  	v9 =	vshrl.u32 v63, $0x19  }
0x1f1: {  	v9 =	vadd.s32 v9, v8  }
0x1f2: {  	v9 =	vshrl.u32 v9, $0x7  }
0x1f3: {  	v9 =	vshll.u32 v9, $0x7  }
0x1f4: {  	v10 =	vsub.s32 v8, v9  }
0x1f5: {  	v10 =	vand.u32 $0xFFFFFF80, v10  }
0x1f6: {  	v8 =	vand.u32 $0x7F, v8;
	v9 =	vadd.s32 v9, v10  }
0x1f7: {  	v7 =	vld.idx.msk [tilespmem:v7+s24+$0x0], $0xffff;
	v8 =	vor.u32 v8, v9;
	_ =	sdelay $0x4  }
0x1f8: {  	[tilespmem:v8+s20+$0x0] =	vst.idx.add.f32.msk $0x1, v7  }
.LBB2_25:
0x1f9: {  	s8 =	sshll.u32 s23, $0x12  }
0x1fa: {  	s8 =	sadd.s32 s6, s8  }
0x1fb: {  	s8 =	sshrl.u32 s8, $0x3  }
0x1fc: {  	s23 =	sadd.s32 @!p0 $0x2, s15;
	s8 =	sadd.s32 s4, s8  }
0x1fd: {  	[hbm4b:s8+s18] =	stream.strided.scatter [tilespmem:s20], [sflag:$0x5], $0x8000, s19, s18, $0x38;
	[tilespmem:$0x1F480] =	vst v63  }
0x1fe: {  	s12 =	sshll.u32 @!p0 s23, $0x12;
	s8 =	simm.s32 @!p0 $0x6  }
0x1ff: {  	s23 =	simm.s32 @p0 $0x2;
	s12 =	sadd.s32 @!p0 s6, s12;
	_ =	swait.ge @!p0 [sflag:s8], $0x8000  }
0x200: {  	s15 =	sand.u32 $0x7F, s23;
	s12 =	sshrl.u32 @!p0 s12, $0x3;
	[sflag:s8] =	ssyncset.done @!p0 $0x0  }
0x201: {  	v7 =	vmov s15;
	[sflag:s8] =	ssyncadd.s32 @!p0 $0xFFFF8000;
	s8 =	sadd.s32 @!p0 s2, s12;
	s12 =	simm.s32 @!p0 $0x10000  }
0x202: {  	[tilespmem:s12], [sflag:$0x3] =	stream.strided.gather @!p0 [hbm4b:s8+s17], $0x8000, s7, s17, $0x38;
	[tilespmem:$0x1F480] =	vst v63  }
0x203: {  	_ =	swait.ge [sflag:s1], $0x8000  }
0x204: {  	[sflag:s1] =	ssyncset.done $0x0  }
0x205: {  	[sflag:s1] =	ssyncadd.s32 $0xFFFF8000  }
0x206: {  	v7 =	vld.idx.msk [tilespmem:v7+s29+$0x0], $0xffff;
	_ =	sdelay $0x4  }
0x207: {  	v7 =	vxor.u32 $0x80000000, v7  }
0x208: {  	(xrf0) =	vmax.scan.msk.u32 $0xffff, v7;
	_ =	sdelay $0x5  }
0x209: {  	v7, _, _ =	vpop (xrf0)  }
0x20a: {  	(v2sf) =	vpush v7, $0xF;
	_ =	sdelay $0xe  }
0x20b: {  	s15 =	spop (v2sf)  }
0x20c: {  	s7 =	sxor.u32 $0x80000000, s15  }
0x20d: {  	p0 =	slt.s32 s7, $0x1  }
.Ltmp19:
0x20e: {  	_ = 	snop;
	(pc) =	sbr.rel @p0 .LBB2_31-.Ltmp19, $2  }
0x20f: {  	_ =	sdelay $0x2  }
0x210: {  	s16 =	sadd.s32 s16, s25  }
0x211: {  	p1 =	sne.s32 s7, $0x1  }
.Ltmp20:
0x212: {  	_ = 	snop;
	(pc) =	sbr.rel @!p1 .LBB2_27-.Ltmp20, $2  }
0x213: {  	_ =	sdelay $0x2  }
0x214: {  	v7 =	vmov s16;
	s12 =	sadd.s32 $0xFFFFFFFF, s7;
	p0 =	por $0x0, $0x0  }
0x215: {  	_ =	sdelay $0x3  }
0x216: {  	v9 =	vld.idx.msk [tilespmem:v7+s22+$0x0], $0xffff;
	_ =	sdelay $0x4  }
0x217: {  	v8 =	vshra.s32 v9, $0x1F  }
0x218: {  	v8 =	vshrl.u32 v8, $0x19  }
0x219: {  	v8 =	vadd.s32 v8, v9  }
0x21a: {  	v8 =	vshrl.u32 v8, $0x7  }
0x21b: {  	p1 =	sne.s32 s12, $0x1;
	v10 =	vshll.u32 v8, $0x7  }
.Ltmp21:
0x21c: {  	v8 =	vsub.s32 v9, v10;
	(pc) =	sbr.rel @!p1 .LBB2_30-.Ltmp21, $4  }
0x21d: {  	v11 =	vand.u32 $0xFFFFFF80, v8  }
0x21e: {  	v8 =	vld.idx.msk [tilespmem:v7+s24+$0x0], $0xffff;
	v7 =	vand.u32 $0x7F, v9;
	v9 =	vadd.s32 v10, v11  }
0x21f: {  	s8 =	sadd.s32 $0x1, s16;
	v9 =	vor.u32 v7, v9  }
0x220: {  	s12 =	sadd.s32 $0xFFFFFFFF, s12;
	p0 =	por $0x1, $0x1;
	v7 =	vmov s8  }
.LBB2_29:
0x221: {  	p1 =	sne.s32 s12, $0x1;
	_ =	sdelay $0x2  }
0x222: {  	[tilespmem:v9+s21+$0x0] =	vst.idx.add.f32.msk $0x1, v8  }
0x223: {  	v9 =	vld.idx.msk [tilespmem:v7+s22+$0x0], $0xffff;
	_ =	sdelay $0x5  }
0x224: {  	v8 =	vshra.s32 v9, $0x1F  }
0x225: {  	v8 =	vshrl.u32 v8, $0x19  }
0x226: {  	v8 =	vadd.s32 v8, v9  }
0x227: {  	v8 =	vshrl.u32 v8, $0x7  }
0x228: {  	v10 =	vshll.u32 v8, $0x7  }
.Ltmp22:
0x229: {  	v8 =	vsub.s32 v9, v10;
	(pc) =	sbr.rel @p1 .LBB2_29-.Ltmp22, $4  }
0x22a: {  	v11 =	vand.u32 $0xFFFFFF80, v8  }
0x22b: {  	v8 =	vld.idx.msk [tilespmem:v7+s24+$0x0], $0xffff;
	v7 =	vand.u32 $0x7F, v9;
	v9 =	vadd.s32 v10, v11  }
0x22c: {  	s8 =	sadd.s32 $0x1, s8;
	v9 =	vor.u32 v7, v9  }
0x22d: {  	s12 =	sadd.s32 $0xFFFFFFFF, s12;
	v7 =	vmov s8  }
.Ltmp23:
0x22e: {  	_ = 	snop;
	(pc) =	sbr.rel .LBB2_30-.Ltmp23, $1  }
0x22f: {  	_ =	sdelay $0x3  }
.LBB2_15:
.Ltmp24:
0x230: {  	(pc) =	sbr.rel .LBB2_18-.Ltmp24, $2  }
0x231: {  	_ =	sdelay $0x2  }
0x232: {  	_ = 	snop  }
.LBB2_21:
.Ltmp25:
0x233: {  	(pc) =	sbr.rel .LBB2_24-.Ltmp25, $2  }
0x234: {  	_ =	sdelay $0x2  }
0x235: {  	_ = 	snop  }
.LBB2_32:
0x236: {  	_ = 	snop  }
0x237: {  	_ =	swait.ge [sflag:s31], $0x8000  }
0x238: {  	[sflag:s31] =	ssyncset.done $0x0  }
0x239: {  	[sflag:s31] =	ssyncadd.s32 $0xFFFF8000  }
0x23a: {  	v7 =	vld.idx.msk [tilespmem:v5+s29+$0x0], $0xffff;
	_ =	sdelay $0x4  }
0x23b: {  	v7 =	vxor.u32 $0x80000000, v7  }
0x23c: {  	(xrf0) =	vmax.scan.msk.u32 $0xffff, v7;
	_ =	sdelay $0x5  }
0x23d: {  	v7, _, _ =	vpop (xrf0)  }
0x23e: {  	(v2sf) =	vpush v7, $0xF;
	_ =	sdelay $0xe  }
0x23f: {  	s7 =	spop (v2sf)  }
0x240: {  	s11 =	sxor.u32 $0x80000000, s7  }
0x241: {  	p0 =	slt.s32 s11, $0x1  }
.Ltmp26:
0x242: {  	_ = 	snop;
	(pc) =	sbr.rel @p0 .LBB2_38-.Ltmp26, $1  }
0x243: {  	_ =	sdelay $0x3  }
0x244: {  	p1 =	sne.s32 s11, $0x1  }
.Ltmp27:
0x245: {  	s8 =	sadd.s32 s14, s10;
	(pc) =	sbr.rel @!p1 .LBB2_34-.Ltmp27, $4  }
0x246: {  	s8 =	sadd.s32 s15, s8  }
0x247: {  	s8 =	sadd.s32 s9, s8  }
0x248: {  	s8 =	sadd.s32 $0x80000000, s8  }
0x249: {  	s11 =	sadd.s32 $0xFFFFFFFF, s11;
	p0 =	por $0x0, $0x0;
	v7 =	vmov s8  }
0x24a: {  	_ =	sdelay $0x3  }
0x24b: {  	v9 =	vld.idx.msk [tilespmem:v7+s22+$0x0], $0xffff;
	_ =	sdelay $0x4  }
0x24c: {  	v8 =	vshra.s32 v9, $0x1F  }
0x24d: {  	v8 =	vshrl.u32 v8, $0x19  }
0x24e: {  	v8 =	vadd.s32 v8, v9  }
0x24f: {  	v8 =	vshrl.u32 v8, $0x7  }
0x250: {  	p1 =	sne.s32 s11, $0x1;
	v10 =	vshll.u32 v8, $0x7  }
.Ltmp28:
0x251: {  	v8 =	vsub.s32 v9, v10;
	(pc) =	sbr.rel @!p1 .LBB2_37-.Ltmp28, $4  }
0x252: {  	v11 =	vand.u32 $0xFFFFFF80, v8  }
0x253: {  	v8 =	vld.idx.msk [tilespmem:v7+s24+$0x0], $0xffff;
	v7 =	vand.u32 $0x7F, v9;
	v9 =	vadd.s32 v10, v11  }
0x254: {  	s8 =	sadd.s32 $0x1, s8;
	v9 =	vor.u32 v7, v9  }
0x255: {  	s11 =	sadd.s32 $0xFFFFFFFF, s11;
	p0 =	por $0x1, $0x1;
	v7 =	vmov s8  }
.LBB2_36:
0x256: {  	p1 =	sne.s32 s11, $0x1;
	_ =	sdelay $0x2  }
0x257: {  	[tilespmem:v9+s5+$0x0] =	vst.idx.add.f32.msk $0x1, v8  }
0x258: {  	v9 =	vld.idx.msk [tilespmem:v7+s22+$0x0], $0xffff;
	_ =	sdelay $0x5  }
0x259: {  	v8 =	vshra.s32 v9, $0x1F  }
0x25a: {  	v8 =	vshrl.u32 v8, $0x19  }
0x25b: {  	v8 =	vadd.s32 v8, v9  }
0x25c: {  	v8 =	vshrl.u32 v8, $0x7  }
0x25d: {  	v10 =	vshll.u32 v8, $0x7  }
.Ltmp29:
0x25e: {  	v8 =	vsub.s32 v9, v10;
	(pc) =	sbr.rel @p1 .LBB2_36-.Ltmp29, $4  }
0x25f: {  	v11 =	vand.u32 $0xFFFFFF80, v8  }
0x260: {  	v8 =	vld.idx.msk [tilespmem:v7+s24+$0x0], $0xffff;
	v7 =	vand.u32 $0x7F, v9;
	v9 =	vadd.s32 v10, v11  }
0x261: {  	s8 =	sadd.s32 $0x1, s8;
	v9 =	vor.u32 v7, v9  }
0x262: {  	s11 =	sadd.s32 $0xFFFFFFFF, s11;
	v7 =	vmov s8  }
.LBB2_37:
0x263: {  	_ =	sdelay $0x3  }
0x264: {  	[tilespmem:v9+s5+$0x0] =	vst.idx.add.f32.msk @p0 $0x1, v8  }
0x265: {  	v8 =	vld.idx.msk [tilespmem:v7+s22+$0x0], $0xffff;
	_ =	sdelay $0x4  }
0x266: {  	v63 =	vshra.s32 v8, $0x1F  }
0x267: {  	v9 =	vshrl.u32 v63, $0x19  }
0x268: {  	v9 =	vadd.s32 v9, v8  }
0x269: {  	v9 =	vshrl.u32 v9, $0x7  }
0x26a: {  	v9 =	vshll.u32 v9, $0x7  }
0x26b: {  	v10 =	vsub.s32 v8, v9  }
0x26c: {  	v10 =	vand.u32 $0xFFFFFF80, v10  }
0x26d: {  	v8 =	vand.u32 $0x7F, v8;
	v9 =	vadd.s32 v9, v10  }
0x26e: {  	v7 =	vld.idx.msk [tilespmem:v7+s24+$0x0], $0xffff;
	v8 =	vor.u32 v8, v9;
	_ =	sdelay $0x4  }
0x26f: {  	[tilespmem:v8+s5+$0x0] =	vst.idx.add.f32.msk $0x1, v7  }
.LBB2_38:
0x270: {  	s8 =	rddreg [dreg:$0xa];
	s11 =	simm.s32 $0x5  }
0x271: {  	[hbm4b:s8+s18] =	stream.strided.scatter [tilespmem:s5], [sflag:$0x4], $0x8000, s19, s18, $0x38;
	[tilespmem:$0x1F480] =	vst v63  }
0x272: {  	_ =	swait.ge [sflag:s11], $0x8000  }
0x273: {  	[sflag:s11] =	ssyncset.done $0x0  }
0x274: {  	s23 =	rddreg [dreg:$0xb];
	[sflag:s11] =	ssyncadd.s32 $0xFFFF8000  }
0x275: {  	[tilespmem:s20], [sflag:$0x2] =	stream.strided.gather [hbm4b:s23+s18], $0x5400, s19, s18, $0x38;
	[tilespmem:$0x1F480] =	vst v63  }
0x276: {  	_ =	swait.ge [sflag:s0], $0x5400  }
0x277: {  	[sflag:s0] =	ssyncset.done $0x0  }
0x278: {  	[sflag:s0] =	ssyncadd.s32 $0xFFFFAC00  }
0x279: {  	v7 =	vld.idx.msk [tilespmem:v6+s29+$0x0], $0xffff;
	_ =	sdelay $0x4  }
0x27a: {  	v7 =	vxor.u32 $0x80000000, v7  }
0x27b: {  	(xrf0) =	vmax.scan.msk.u32 $0xffff, v7;
	_ =	sdelay $0x5  }
0x27c: {  	v7, _, _ =	vpop (xrf0)  }
0x27d: {  	(v2sf) =	vpush v7, $0xF;
	_ =	sdelay $0xe  }
0x27e: {  	s25 =	spop (v2sf)  }
0x27f: {  	s8 =	sxor.u32 $0x80000000, s25  }
0x280: {  	p0 =	slt.s32 s8, $0x1  }
.Ltmp30:
0x281: {  	_ = 	snop;
	(pc) =	sbr.rel @p0 .LBB2_44-.Ltmp30, $2  }
0x282: {  	_ =	sdelay $0x2  }
0x283: {  	s12 =	rddreg [dreg:$0xe]  }
0x284: {  	p1 =	sne.s32 s8, $0x1  }
.Ltmp31:
0x285: {  	s7 =	sadd.s32 s10, s7;
	(pc) =	sbr.rel @!p1 .LBB2_40-.Ltmp31, $4  }
0x286: {  	s7 =	sadd.s32 s14, s7  }
0x287: {  	s7 =	sadd.s32 s15, s7  }
0x288: {  	s7 =	sadd.s32 s9, s7  }
0x289: {  	s8 =	sadd.s32 $0xFFFFFFFF, s8;
	p0 =	por $0x0, $0x0;
	v7 =	vmov s7  }
0x28a: {  	_ =	sdelay $0x3  }
0x28b: {  	v9 =	vld.idx.msk [tilespmem:v7+s22+$0x0], $0xffff;
	_ =	sdelay $0x4  }
0x28c: {  	v8 =	vshra.s32 v9, $0x1F  }
0x28d: {  	v8 =	vshrl.u32 v8, $0x19  }
0x28e: {  	v8 =	vadd.s32 v8, v9  }
0x28f: {  	v8 =	vshrl.u32 v8, $0x7  }
0x290: {  	p1 =	sne.s32 s8, $0x1;
	v10 =	vshll.u32 v8, $0x7  }
.Ltmp32:
0x291: {  	v8 =	vsub.s32 v9, v10;
	(pc) =	sbr.rel @!p1 .LBB2_43-.Ltmp32, $4  }
0x292: {  	v11 =	vand.u32 $0xFFFFFF80, v8  }
0x293: {  	v8 =	vld.idx.msk [tilespmem:v7+s24+$0x0], $0xffff;
	v7 =	vand.u32 $0x7F, v9;
	v9 =	vadd.s32 v10, v11  }
0x294: {  	s7 =	sadd.s32 $0x1, s7;
	v9 =	vor.u32 v7, v9  }
0x295: {  	s8 =	sadd.s32 $0xFFFFFFFF, s8;
	p0 =	por $0x1, $0x1;
	v7 =	vmov s7  }
.LBB2_42:
0x296: {  	p1 =	sne.s32 s8, $0x1;
	_ =	sdelay $0x2  }
0x297: {  	[tilespmem:v9+s20+$0x0] =	vst.idx.add.f32.msk $0x1, v8  }
0x298: {  	v9 =	vld.idx.msk [tilespmem:v7+s22+$0x0], $0xffff;
	_ =	sdelay $0x5  }
0x299: {  	v8 =	vshra.s32 v9, $0x1F  }
0x29a: {  	v8 =	vshrl.u32 v8, $0x19  }
0x29b: {  	v8 =	vadd.s32 v8, v9  }
0x29c: {  	v8 =	vshrl.u32 v8, $0x7  }
0x29d: {  	v10 =	vshll.u32 v8, $0x7  }
.Ltmp33:
0x29e: {  	v8 =	vsub.s32 v9, v10;
	(pc) =	sbr.rel @p1 .LBB2_42-.Ltmp33, $4  }
0x29f: {  	v11 =	vand.u32 $0xFFFFFF80, v8  }
0x2a0: {  	v8 =	vld.idx.msk [tilespmem:v7+s24+$0x0], $0xffff;
	v7 =	vand.u32 $0x7F, v9;
	v9 =	vadd.s32 v10, v11  }
0x2a1: {  	s7 =	sadd.s32 $0x1, s7;
	v9 =	vor.u32 v7, v9  }
0x2a2: {  	s8 =	sadd.s32 $0xFFFFFFFF, s8;
	v7 =	vmov s7  }
.Ltmp34:
0x2a3: {  	_ = 	snop;
	(pc) =	sbr.rel .LBB2_43-.Ltmp34, $1  }
0x2a4: {  	_ =	sdelay $0x3  }
.LBB2_34:
.Ltmp35:
0x2a5: {  	(pc) =	sbr.rel .LBB2_37-.Ltmp35, $2  }
0x2a6: {  	_ =	sdelay $0x2  }
0x2a7: {  	_ = 	snop  }
.LBB2_45:
0x2a8: {  	_ =	sfence.sel $0x180000  }
0x2a9: {  	[bflag:$0x0] =	sbarrier.arrive $0xFFFF  }
0x2aa: {  	_ =	strace $0x90000047  }
0x2ab: {  	s0 =	stileid.u32;
	[bflag:$0x2] =	sbarrier.arrive $0xFFFF  }
0x2ac: {  	p0 =	sne.s32 s0, $0x0;
	s0 =	rddreg [dreg:$0x3]  }
0x2ad: {  	s0 =	sadd.s32 @!p0 $0x100000, s0  }
0x2ae: {  	[sflag:s0] =	ssyncadd.tile.s32 @!p0 $0x1;
	_ =	shalt  }
.Lfunc_end2:
_tile_overlayer_lowered:
.L_overlay_start_2:
0x2af: {  	(tag) =	ssettag $0x2  }
0x2b0: {  	s0 =	rddreg [dreg:$0x0];
	s2 =	stileid.u32  }
0x2b1: {  	s1 =	rddreg [dreg:$0x1];
	p0 =	sne.s32 s2, $0x0  }
0x2b2: {  	s3 =	rddreg [dreg:$0x2];
	[bflag:$0x3] =	sbarrier.arrive $0xFFFF;
	s2 =	simm.s32 @!p0 $0x1C07  }
0x2b3: {  	[timem:s3], [sflag:s2] =	dma.local @!p0 [hbm:s0], s1  }
0x2b4: {  	s0 =	simm.s32 @!p0 $0x7  }
0x2b5: {  	_ =	swait.ge @!p0 [sflag:s0], s1  }
0x2b6: {  	s1 =	ssub.s32 @!p0 $0x0, s1;
	[sflag:s0] =	ssyncset.done @!p0 $0x0  }
0x2b7: {  	[sflag:s0] =	ssyncadd.s32 @!p0 s1  }
0x2b8: {  	[bflag:$0x3] =	sbarrier.arrive $0xFFFF  }
0x2b9: {  	_ =	shalt  }

</sc_bundles>
